<compile_context>
chip_gen: v7x
topology: tpu7x:2x2x1
jax: 0.10.2.dev20260603
libtpu: 0.0.44.dev20260713+nightly
codegen_flags: <defaults>
</compile_context>

<pallas_src>
import functools

import jax
import jax.numpy as jnp
from jax import lax
from jax.experimental import pallas as pl
from jax.experimental.pallas import tpu as pltpu
from jax.experimental.pallas import tpu_sc as plsc

NUM_VOCABS = 1024
B, L, V = 8, 4096, 1024
N = B * L
MASK_TOK = NUM_VOCABS - 1

LANES = 16
NC, NS = 2, 16
NW = NC * NS
CHUNK = N // NW
NGROUPS = CHUNK // LANES
VG = V // LANES
UNROLL = 4
WPB = L // CHUNK


def _sc_partials(ls3d, xt2d, x02d, ratio_pad, const_pad):
    mesh = plsc.VectorSubcoreMesh(core_axis_name="c", subcore_axis_name="s")

    @functools.partial(
        pl.kernel,
        mesh=mesh,
        out_type=jax.ShapeDtypeStruct((NW, LANES), jnp.float32),
        compiler_params=pltpu.CompilerParams(
            needs_layout_passes=False, skip_device_barrier=True),
        scratch_types=[
            pltpu.VMEM((CHUNK + LANES,), jnp.int32),
            pltpu.VMEM((CHUNK + LANES,), jnp.int32),
            pltpu.VMEM((CHUNK + LANES,), jnp.int32),
            pltpu.VMEM((2, V + LANES), jnp.float32),
            pltpu.VMEM((LANES,), jnp.float32),
            pltpu.VMEM((LANES,), jnp.float32),
            pltpu.VMEM((LANES,), jnp.float32),
            pltpu.SemaphoreType.DMA,
            pltpu.SemaphoreType.DMA,
            pltpu.SemaphoreType.DMA,
            pltpu.SemaphoreType.DMA,
            pltpu.SemaphoreType.DMA,
        ],
    )
    def k(ls_hbm, xt_hbm, x0_hbm, ratio_hbm, const_hbm, out_hbm,
          xt_v, x0_v, idx_v, row_v, ratio_v, const_v, fin_v,
          sem0, sem1, semA, semB, semC):
        wid = lax.axis_index("s") * NC + lax.axis_index("c")
        bi = wid // WPB
        loff = (wid % WPB) * CHUNK
        HALF = CHUNK // 2
        cp_xt0 = pltpu.async_copy(
            xt_hbm.at[bi, pl.ds(loff, HALF)], xt_v.at[pl.ds(0, HALF)], sem0)
        cp_xt1 = pltpu.async_copy(
            xt_hbm.at[bi, pl.ds(loff + HALF, HALF)],
            xt_v.at[pl.ds(HALF, HALF)], sem1)
        cp_x0 = pltpu.async_copy(
            x0_hbm.at[bi, pl.ds(loff, CHUNK)], x0_v.at[pl.ds(0, CHUNK)], semC)
        cp_ratio = pltpu.async_copy(ratio_hbm, ratio_v, semB)

        lanes = lax.broadcasted_iota(jnp.int32, (LANES,), 0)
        zero16 = jnp.zeros((LANES,), jnp.float32)
        row_v[0, pl.ds(V, LANES)] = zero16
        row_v[1, pl.ds(V, LANES)] = zero16
        last_lane = lanes == (LANES - 1)
        lane_is_b = lanes == bi

        def fire(i, s, sem):
            p = idx_v[pl.ds(i, LANES)][0]
            pltpu.async_copy(
                ls_hbm.at[bi, loff + p], row_v.at[s, pl.ds(0, V)], sem)

        def drain(s, sem):
            pltpu.make_async_copy(
                ls_hbm.at[bi, 0], row_v.at[s, pl.ds(0, V)], sem).wait()

        def scan_body(g2, cnt):
            p0 = g2 * (2 * LANES)
            m0 = xt_v[pl.ds(p0, LANES)] == MASK_TOK
            plsc.store_compressed(
                idx_v.at[pl.ds(cnt, LANES)], p0 + lanes, mask=m0)
            c0 = cnt + plsc.all_reduce_population_count(m0)[0]
            p1 = p0 + LANES
            m1 = xt_v[pl.ds(p1, LANES)] == MASK_TOK
            plsc.store_compressed(
                idx_v.at[pl.ds(c0, LANES)], p1 + lanes, mask=m1)
            return c0 + plsc.all_reduce_population_count(m1)[0]

        cp_xt0.wait()
        cp_const = pltpu.async_copy(const_hbm, const_v, sem0)
        nhalf = lax.fori_loop(0, NGROUPS // 4, scan_body, 0)

        @pl.when(nhalf > 0)
        def _():
            fire(0, 0, semA)

        cp_xt1.wait()
        nmask = lax.fori_loop(NGROUPS // 4, NGROUPS // 2, scan_body, nhalf)
        cp_x0.wait()
        cp_ratio.wait()

        @pl.when((nhalf == 0) & (nmask > 0))
        def _():
            fire(0, 0, semA)

        def reduce_row(i, s, carry):
            pos_acc, neg_acc = carry
            p = idx_v[pl.ds(i, LANES)][0]
            x0r = x0_v[pl.ds(p, LANES)][0]
            negv = row_v[s, pl.ds(x0r, LANES)][0]

            def col_body(j, accs):
                c = j * (LANES * UNROLL)
                return tuple(
                    accs[u] + jnp.exp(row_v[s, pl.ds(c + u * LANES, LANES)])
                    for u in range(UNROLL))

            accs = lax.fori_loop(0, VG // UNROLL, col_body, (zero16,) * UNROLL)
            pos = (accs[0] + accs[1]) + (accs[2] + accs[3])
            pos = pos - jnp.where(
                last_lane, jnp.exp(row_v[s, pl.ds(V - LANES, LANES)]), 0.0)
            return (pos_acc + pos,
                    neg_acc + jnp.full((LANES,), negv, jnp.float32))

        def pair_body(q, carry):
            i0 = 2 * q
            i1 = i0 + 1
            drain(0, semA)

            @pl.when(i1 < nmask)
            def _():
                fire(i1, 1, semB)

            carry = reduce_row(i0, 0, carry)

            def odd_branch(c):
                drain(1, semB)

                @pl.when(i1 + 1 < nmask)
                def _():
                    fire(i1 + 1, 0, semA)

                return reduce_row(i1, 1, c)

            return lax.cond(i1 < nmask, odd_branch, lambda c: c, carry)

        npairs = (nmask + 1) // 2
        pos_acc, neg_acc = lax.fori_loop(
            0, npairs, pair_body, (zero16, zero16))
        cp_const.wait()
        cntf = jnp.full((LANES,), nmask, jnp.int32).astype(jnp.float32)
        fin_v[...] = pos_acc + jnp.where(
            lane_is_b, const_v[...] * cntf - ratio_v[...] * neg_acc, 0.0)
        pltpu.sync_copy(fin_v, out_hbm.at[wid])

    return k(ls3d, xt2d, x02d, ratio_pad, const_pad)


def kernel(log_score, sigma_bar, xt, x0):
    expm1_sb = jnp.where(sigma_bar < 0.5, jnp.expm1(sigma_bar),
                         jnp.exp(sigma_bar) - 1.0)
    ratio = 1.0 / expm1_sb
    const = ratio * (jnp.log(ratio) - 1.0)
    ratio_pad = jnp.zeros((LANES,), jnp.float32).at[:B].set(ratio)
    const_pad = jnp.zeros((LANES,), jnp.float32).at[:B].set(const)
    parts = _sc_partials(log_score, xt, x0, ratio_pad, const_pad)
    return parts.sum()

# --- scband reference (transcript-rebuilt; emitter-appended) ---
"""Pipeline reference for scband-loss-26620207300696 (READ-ONLY COPY).

The authoritative reference and input builder live on the scoring server;
editing this copy changes nothing except your own understanding.
"""

import jax, jax.numpy as jnp
import numpy as np

NUM_VOCABS = 1024
B, L, V = 8, 4096, 1024

def setup_inputs(seed: int = 0) -> dict:
    key = jax.random.key(seed)
    k1, k2, k3, k4 = jax.random.split(key, 4)
    log_score = jax.random.normal(k1, (B, L, V), dtype=jnp.float32)
    sigma_bar = jax.random.uniform(k2, (B,), dtype=jnp.float32)
    xt = jax.random.randint(k3, (B, L), 0, 1024, dtype=jnp.int32)
    x0 = jax.random.randint(k4, (B, L), 0, 1024, dtype=jnp.int32)
    return {"log_score": log_score, "sigma_bar": sigma_bar, "xt": xt, "x0": x0}

def reference(log_score, sigma_bar, xt, x0):
    # expm1 with numerically-stable branch, as in the torch module
    expm1_sigma_bar = jnp.where(sigma_bar < 0.5, jnp.expm1(sigma_bar), jnp.exp(sigma_bar) - 1.0)
    # perturbed positions: tokens equal to the mask token (num_vocabs - 1)
    mask = xt == (NUM_VOCABS - 1)
    # sigma_bar[:, None].expand_as(xt)[perturbed_pos] == sigma_bar broadcast per row
    ratio = (1.0 / expm1_sigma_bar)[:, None]
    neg = ratio * jnp.take_along_axis(log_score, x0[:, :, None], axis=-1)[:, :, 0]
    pos = jnp.exp(log_score[:, :, :-1]).sum(axis=-1)
    const = ratio * (jnp.log(ratio) - 1.0)
    loss = jnp.where(mask, pos - neg + const, jnp.zeros((), dtype=log_score.dtype))
    # reduction='sum' (default in spec)
    return loss.sum()

if __name__ == "__main__":
    import jax
    _d = setup_inputs()
    print(jax.jit(kernel)(*tuple(_d.values())))

</pallas_src>

<mosaic_0001>
#map = affine_map<(d0, d1) -> (0, 0, 0)>
#map1 = affine_map<(d0, d1) -> (0, 0)>
#map2 = affine_map<(d0, d1) -> (0)>
module attributes {stable_mosaic.version = 14 : i64} {
  func.func @k(%arg0: i32, %arg1: i32, %arg2: memref<8x4096x1024xf32, #tpu.memory_space<hbm>>, %arg3: memref<8x4096xi32, #tpu.memory_space<hbm>>, %arg4: memref<8x4096xi32, #tpu.memory_space<hbm>>, %arg5: memref<16xf32, #tpu.memory_space<hbm>>, %arg6: memref<16xf32, #tpu.memory_space<hbm>>, %arg7: memref<32x16xf32, #tpu.memory_space<hbm>>, %arg8: memref<1040xi32, #tpu.memory_space<vmem>>, %arg9: memref<1040xi32, #tpu.memory_space<vmem>>, %arg10: memref<1040xi32, #tpu.memory_space<vmem>>, %arg11: memref<2x1040xf32, #tpu.memory_space<vmem>>, %arg12: memref<16xf32, #tpu.memory_space<vmem>>, %arg13: memref<16xf32, #tpu.memory_space<vmem>>, %arg14: memref<16xf32, #tpu.memory_space<vmem>>, %arg15: memref<!tpu.dma_semaphore, #tpu.memory_space<semaphore_mem>>, %arg16: memref<!tpu.dma_semaphore, #tpu.memory_space<semaphore_mem>>, %arg17: memref<!tpu.dma_semaphore, #tpu.memory_space<semaphore_mem>>, %arg18: memref<!tpu.dma_semaphore, #tpu.memory_space<semaphore_mem>>, %arg19: memref<!tpu.dma_semaphore, #tpu.memory_space<semaphore_mem>>) attributes {dimension_semantics = [#tpu.dimension_semantics<core_parallel>, #tpu.dimension_semantics<subcore_parallel>], iteration_bounds = array<i64: 2, 16>, scalar_prefetch = 0 : i64, scratch_operands = 12 : i64, tpu.core_type = #tpu.core_type<sc_vector_subcore>, window_params = [{transform_indices = #map}, {transform_indices = #map1}, {transform_indices = #map1}, {transform_indices = #map2}, {transform_indices = #map2}, {transform_indices = #map1}]} {
    %mul3A = arith.constant 2 : i32
    %mul3A_0 = arith.muli %arg1, %mul3A : i32
    %add3A = arith.addi %mul3A_0, %arg0 : i32
    %jit3A = arith.constant 4 : i32
    %div3A = arith.divsi %add3A, %jit3A : i32
    %sign3A = arith.constant 0 : i32
    %sign3A_1 = arith.cmpi sgt, %add3A, %sign3A : i32
    %sign3A_2 = arith.extui %sign3A_1 : i1 to i32
    %sign3A_3 = arith.constant 0 : i32
    %sign3A_4 = arith.cmpi slt, %add3A, %sign3A_3 : i32
    %sign3A_5 = arith.extui %sign3A_4 : i1 to i32
    %sign3A_6 = arith.subi %sign3A_2, %sign3A_5 : i32
    %sign3A_7 = arith.constant 0 : i32
    %sign3A_8 = arith.cmpi sgt, %jit3A, %sign3A_7 : i32
    %sign3A_9 = arith.extui %sign3A_8 : i1 to i32
    %sign3A_10 = arith.constant 0 : i32
    %sign3A_11 = arith.cmpi slt, %jit3A, %sign3A_10 : i32
    %sign3A_12 = arith.extui %sign3A_11 : i1 to i32
    %sign3A_13 = arith.subi %sign3A_9, %sign3A_12 : i32
    %ne3A = arith.cmpi ne, %sign3A_6, %sign3A_13 : i32
    %rem3A = arith.remsi %add3A, %jit3A : i32
    %ne3A_14 = arith.constant 0 : i32
    %ne3A_15 = arith.cmpi ne, %rem3A, %ne3A_14 : i32
    %and3A = arith.andi %ne3A, %ne3A_15 : i1
    %sub3A = arith.constant 1 : i32
    %sub3A_16 = arith.subi %div3A, %sub3A : i32
    %select_n3A = arith.select %and3A, %sub3A_16, %div3A : i32
    %jit3A_17 = arith.constant 4 : i32
    %eq3A = arith.constant 0 : i32
    %eq3A_18 = arith.cmpi eq, %jit3A_17, %eq3A : i32
    %jit3A_19 = arith.constant 1 : i32
    %select_n3A_20 = arith.select %eq3A_18, %jit3A_19, %jit3A_17 : i32
    %rem3A_21 = arith.remsi %add3A, %select_n3A_20 : i32
    %ne3A_22 = arith.constant 0 : i32
    %ne3A_23 = arith.cmpi ne, %rem3A_21, %ne3A_22 : i32
    %lt3A = arith.constant 0 : i32
    %lt3A_24 = arith.cmpi slt, %rem3A_21, %lt3A : i32
    %lt3A_25 = arith.constant 0 : i32
    %lt3A_26 = arith.cmpi slt, %select_n3A_20, %lt3A_25 : i32
    %ne3A_27 = arith.xori %lt3A_24, %lt3A_26 : i1
    %and3A_28 = arith.andi %ne3A_27, %ne3A_23 : i1
    %add3A_29 = arith.addi %rem3A_21, %select_n3A_20 : i32
    %select_n3A_30 = arith.select %and3A_28, %add3A_29, %rem3A_21 : i32
    %mul3A_31 = arith.constant 1024 : i32
    %mul3A_32 = arith.muli %select_n3A_30, %mul3A_31 : i32
    %dma_start3A = arith.constant 0 : i32
    %dma_start3A_33 = tpu.memref_slice %arg8[%dma_start3A] : memref<1040xi32, #tpu.memory_space<vmem>> -> memref<512xi32, #tpu.memory_space<vmem>>
    %dma_start3A_34 = tpu.memref_slice %arg3[%select_n3A, %mul3A_32] : memref<8x4096xi32, #tpu.memory_space<hbm>> -> memref<1x512xi32, #tpu.memory_space<hbm>>
    %dma_start3A_35 = tpu.memref_squeeze %dma_start3A_34 : memref<1x512xi32, #tpu.memory_space<hbm>> -> memref<512xi32, #tpu.memory_space<hbm>>
    %dma_start3A_36 = arith.constant 0 : i32
    %dma_start3A_37 = tpu.memref_slice %arg8[%dma_start3A_36] : memref<1040xi32, #tpu.memory_space<vmem>> -> memref<512xi32, #tpu.memory_space<vmem>>
    %dma_start3A_38 = tpu.memref_slice %arg3[%select_n3A, %mul3A_32] : memref<8x4096xi32, #tpu.memory_space<hbm>> -> memref<1x512xi32, #tpu.memory_space<hbm>>
    %dma_start3A_39 = tpu.memref_squeeze %dma_start3A_38 : memref<1x512xi32, #tpu.memory_space<hbm>> -> memref<512xi32, #tpu.memory_space<hbm>>
    tpu.enqueue_dma source(%dma_start3A_39 : memref<512xi32, #tpu.memory_space<hbm>>) target(%dma_start3A_37 : memref<512xi32, #tpu.memory_space<vmem>>) target_semaphore(%arg15 : memref<!tpu.dma_semaphore, #tpu.memory_space<semaphore_mem>>)
    %add3A_40 = arith.constant 512 : i32
    %add3A_41 = arith.addi %mul3A_32, %add3A_40 : i32
    %dma_start3A_42 = arith.constant 512 : i32
    %dma_start3A_43 = tpu.memref_slice %arg8[%dma_start3A_42] : memref<1040xi32, #tpu.memory_space<vmem>> -> memref<512xi32, #tpu.memory_space<vmem>>
    %dma_start3A_44 = tpu.memref_slice %arg3[%select_n3A, %add3A_41] : memref<8x4096xi32, #tpu.memory_space<hbm>> -> memref<1x512xi32, #tpu.memory_space<hbm>>
    %dma_start3A_45 = tpu.memref_squeeze %dma_start3A_44 : memref<1x512xi32, #tpu.memory_space<hbm>> -> memref<512xi32, #tpu.memory_space<hbm>>
    %dma_start3A_46 = arith.constant 512 : i32
    %dma_start3A_47 = tpu.memref_slice %arg8[%dma_start3A_46] : memref<1040xi32, #tpu.memory_space<vmem>> -> memref<512xi32, #tpu.memory_space<vmem>>
    %dma_start3A_48 = tpu.memref_slice %arg3[%select_n3A, %add3A_41] : memref<8x4096xi32, #tpu.memory_space<hbm>> -> memref<1x512xi32, #tpu.memory_space<hbm>>
    %dma_start3A_49 = tpu.memref_squeeze %dma_start3A_48 : memref<1x512xi32, #tpu.memory_space<hbm>> -> memref<512xi32, #tpu.memory_space<hbm>>
    tpu.enqueue_dma source(%dma_start3A_49 : memref<512xi32, #tpu.memory_space<hbm>>) target(%dma_start3A_47 : memref<512xi32, #tpu.memory_space<vmem>>) target_semaphore(%arg16 : memref<!tpu.dma_semaphore, #tpu.memory_space<semaphore_mem>>)
    %dma_start3A_50 = arith.constant 0 : i32
    %dma_start3A_51 = tpu.memref_slice %arg9[%dma_start3A_50] : memref<1040xi32, #tpu.memory_space<vmem>> -> memref<1024xi32, #tpu.memory_space<vmem>>
    %dma_start3A_52 = tpu.memref_slice %arg4[%select_n3A, %mul3A_32] : memref<8x4096xi32, #tpu.memory_space<hbm>> -> memref<1x1024xi32, #tpu.memory_space<hbm>>
    %dma_start3A_53 = tpu.memref_squeeze %dma_start3A_52 : memref<1x1024xi32, #tpu.memory_space<hbm>> -> memref<1024xi32, #tpu.memory_space<hbm>>
    %dma_start3A_54 = arith.constant 0 : i32
    %dma_start3A_55 = tpu.memref_slice %arg9[%dma_start3A_54] : memref<1040xi32, #tpu.memory_space<vmem>> -> memref<1024xi32, #tpu.memory_space<vmem>>
    %dma_start3A_56 = tpu.memref_slice %arg4[%select_n3A, %mul3A_32] : memref<8x4096xi32, #tpu.memory_space<hbm>> -> memref<1x1024xi32, #tpu.memory_space<hbm>>
    %dma_start3A_57 = tpu.memref_squeeze %dma_start3A_56 : memref<1x1024xi32, #tpu.memory_space<hbm>> -> memref<1024xi32, #tpu.memory_space<hbm>>
    tpu.enqueue_dma source(%dma_start3A_57 : memref<1024xi32, #tpu.memory_space<hbm>>) target(%dma_start3A_55 : memref<1024xi32, #tpu.memory_space<vmem>>) target_semaphore(%arg19 : memref<!tpu.dma_semaphore, #tpu.memory_space<semaphore_mem>>)
    tpu.enqueue_dma source(%arg5 : memref<16xf32, #tpu.memory_space<hbm>>) target(%arg12 : memref<16xf32, #tpu.memory_space<vmem>>) target_semaphore(%arg18 : memref<!tpu.dma_semaphore, #tpu.memory_space<semaphore_mem>>)
    %iota3A = tpu.iota {dimensions = array<i32: 0>} : vector<16xi32>
    %broadcast_in_dim3A = arith.constant 0.000000e+00 : f32
    %broadcast_in_dim3A_58 = vector.broadcast %broadcast_in_dim3A : f32 to vector<16xf32>
    %swap3A = arith.constant 0 : i32
    %swap3A_59 = arith.index_cast %swap3A : i32 to index
    %swap3A_60 = arith.constant 1024 : index
    %swap3A_61 = tpu.vector_load %arg11[%swap3A_59, %swap3A_60] {strides = array<i32>} : memref<2x1040xf32, #tpu.memory_space<vmem>>, vector<16xf32>,
    tpu.vector_store %arg11[%swap3A_59, %swap3A_60], %broadcast_in_dim3A_58 {strides = array<i32>} : memref<2x1040xf32, #tpu.memory_space<vmem>>, vector<16xf32>,
    %swap3A_62 = arith.constant 1 : i32
    %swap3A_63 = arith.index_cast %swap3A_62 : i32 to index
    %swap3A_64 = arith.constant 1024 : index
    %swap3A_65 = tpu.vector_load %arg11[%swap3A_63, %swap3A_64] {strides = array<i32>} : memref<2x1040xf32, #tpu.memory_space<vmem>>, vector<16xf32>,
    tpu.vector_store %arg11[%swap3A_63, %swap3A_64], %broadcast_in_dim3A_58 {strides = array<i32>} : memref<2x1040xf32, #tpu.memory_space<vmem>>, vector<16xf32>,
    %eq3A_66 = arith.constant 15 : i32
    %eq3A_67 = vector.broadcast %eq3A_66 : i32 to vector<16xi32>
    %eq3A_68 = arith.cmpi eq, %iota3A, %eq3A_67 : vector<16xi32>
    %eq3A_69 = vector.broadcast %select_n3A : i32 to vector<16xi32>
    %eq3A_70 = arith.cmpi eq, %iota3A, %eq3A_69 : vector<16xi32>
    %dma_wait3A = arith.constant 0 : i32
    %dma_wait3A_71 = tpu.memref_slice %arg8[%dma_wait3A] : memref<1040xi32, #tpu.memory_space<vmem>> -> memref<512xi32, #tpu.memory_space<vmem>>
    %dma_wait3A_72 = tpu.memref_slice %arg3[%select_n3A, %mul3A_32] : memref<8x4096xi32, #tpu.memory_space<hbm>> -> memref<1x512xi32, #tpu.memory_space<hbm>>
    %dma_wait3A_73 = tpu.memref_squeeze %dma_wait3A_72 : memref<1x512xi32, #tpu.memory_space<hbm>> -> memref<512xi32, #tpu.memory_space<hbm>>
    %dma_wait3A_74 = arith.constant 0 : i32
    %dma_wait3A_75 = tpu.memref_slice %arg8[%dma_wait3A_74] : memref<1040xi32, #tpu.memory_space<vmem>> -> memref<512xi32, #tpu.memory_space<vmem>>
    %dma_wait3A_76 = tpu.memref_slice %arg3[%select_n3A, %mul3A_32] : memref<8x4096xi32, #tpu.memory_space<hbm>> -> memref<1x512xi32, #tpu.memory_space<hbm>>
    %dma_wait3A_77 = tpu.memref_squeeze %dma_wait3A_76 : memref<1x512xi32, #tpu.memory_space<hbm>> -> memref<512xi32, #tpu.memory_space<hbm>>
    tpu.wait_dma2 semaphore(%arg15 : memref<!tpu.dma_semaphore, #tpu.memory_space<semaphore_mem>>) src(%dma_wait3A_77 : memref<512xi32, #tpu.memory_space<hbm>>) dst(%dma_wait3A_75 : memref<512xi32, #tpu.memory_space<vmem>>)
    tpu.enqueue_dma source(%arg6 : memref<16xf32, #tpu.memory_space<hbm>>) target(%arg13 : memref<16xf32, #tpu.memory_space<vmem>>) target_semaphore(%arg15 : memref<!tpu.dma_semaphore, #tpu.memory_space<semaphore_mem>>)
    %scan3A = arith.constant 0 : i32
    %scan3A_78 = arith.constant 0 : i32
    %scan3A_79 = arith.constant 16 : i32
    %scan3A_80 = arith.addi %scan3A_78, %scan3A_79 : i32
    %scan3A_81 = arith.constant 1 : i32
    %scan3A_82 = scf.for %scan3A_166 = %scan3A_78 to %scan3A_80 step %scan3A_81 iter_args(%scan3A_167 = %scan3A) -> (i32)  : i32 {
      %mul3A_168 = arith.constant 32 : i32
      %mul3A_169 = arith.muli %scan3A_166, %mul3A_168 : i32
      %get3A_170 = arith.index_cast %mul3A_169 : i32 to index
      %get3A_171 = tpu.vector_load %arg8[%get3A_170] {strides = array<i32>} : memref<1040xi32, #tpu.memory_space<vmem>>, vector<16xi32>,
      %eq3A_172 = arith.constant 1023 : i32
      %eq3A_173 = vector.broadcast %eq3A_172 : i32 to vector<16xi32>
      %eq3A_174 = arith.cmpi eq, %get3A_171, %eq3A_173 : vector<16xi32>
      %add3A_175 = vector.broadcast %mul3A_169 : i32 to vector<16xi32>
      %add3A_176 = arith.addi %add3A_175, %iota3A : vector<16xi32>
      %swap3A_177 = arith.index_cast %scan3A_167 : i32 to index
      %swap3A_178 = tpu.vector_load %arg10[%swap3A_177] masked %eq3A_174 {strides = array<i32>} : memref<1040xi32, #tpu.memory_space<vmem>>, vector<16xi32>, vector<16xi1>
      tpu.vector_store %arg10[%swap3A_177], %add3A_176 masked %eq3A_174 {strides = array<i32>} : memref<1040xi32, #tpu.memory_space<vmem>>, vector<16xi32>, vector<16xi1>
      %all_reduce_population_count3A = tpu.all_reduce %eq3A_174 {dim = 0 : i64, kind = #tpu.reduction_kind<sum>} : vector<16xi1> -> vector<16xi32>
      %slice3A = vector.extract_strided_slice %all_reduce_population_count3A {offsets = [0], sizes = [1], strides = [1]} : vector<16xi32> to vector<1xi32>
      %squeeze3A = vector.extract %slice3A[0] : i32 from vector<1xi32>
      %add3A_179 = arith.addi %scan3A_167, %squeeze3A : i32
      %add3A_180 = arith.constant 16 : i32
      %add3A_181 = arith.addi %mul3A_169, %add3A_180 : i32
      %get3A_182 = arith.index_cast %add3A_181 : i32 to index
      %get3A_183 = tpu.vector_load %arg8[%get3A_182] {strides = array<i32>} : memref<1040xi32, #tpu.memory_space<vmem>>, vector<16xi32>,
      %eq3A_184 = arith.constant 1023 : i32
      %eq3A_185 = vector.broadcast %eq3A_184 : i32 to vector<16xi32>
      %eq3A_186 = arith.cmpi eq, %get3A_183, %eq3A_185 : vector<16xi32>
      %add3A_187 = vector.broadcast %add3A_181 : i32 to vector<16xi32>
      %add3A_188 = arith.addi %add3A_187, %iota3A : vector<16xi32>
      %swap3A_189 = arith.index_cast %add3A_179 : i32 to index
      %swap3A_190 = tpu.vector_load %arg10[%swap3A_189] masked %eq3A_186 {strides = array<i32>} : memref<1040xi32, #tpu.memory_space<vmem>>, vector<16xi32>, vector<16xi1>
      tpu.vector_store %arg10[%swap3A_189], %add3A_188 masked %eq3A_186 {strides = array<i32>} : memref<1040xi32, #tpu.memory_space<vmem>>, vector<16xi32>, vector<16xi1>
      %all_reduce_population_count3A_191 = tpu.all_reduce %eq3A_186 {dim = 0 : i64, kind = #tpu.reduction_kind<sum>} : vector<16xi1> -> vector<16xi32>
      %slice3A_192 = vector.extract_strided_slice %all_reduce_population_count3A_191 {offsets = [0], sizes = [1], strides = [1]} : vector<16xi32> to vector<1xi32>
      %squeeze3A_193 = vector.extract %slice3A_192[0] : i32 from vector<1xi32>
      %add3A_194 = arith.addi %add3A_179, %squeeze3A_193 : i32
      scf.yield %add3A_194 : i32
    }
    %scan3A_83 = arith.constant 16 : i32
    %gt3A = arith.constant 0 : i32
    %gt3A_84 = arith.cmpi sgt, %scan3A_82, %gt3A : i32
    %convert_element_type3A = arith.extui %gt3A_84 : i1 to i32
    %cond3A = arith.constant 0 : i32
    %cond3A_85 = arith.cmpi ne, %convert_element_type3A, %cond3A : i32
    scf.if %cond3A_85 {
      %get3A_166 = arith.constant 0 : index
      %get3A_167 = tpu.vector_load %arg10[%get3A_166] {strides = array<i32>} : memref<1040xi32, #tpu.memory_space<vmem>>, vector<16xi32>,
      %slice3A = vector.extract_strided_slice %get3A_167 {offsets = [0], sizes = [1], strides = [1]} : vector<16xi32> to vector<1xi32>
      %squeeze3A = vector.extract %slice3A[0] : i32 from vector<1xi32>
      %add3A_168 = arith.addi %mul3A_32, %squeeze3A : i32
      %dma_start3A_169 = arith.constant 0 : i32
      %dma_start3A_170 = arith.constant 0 : i32
      %dma_start3A_171 = tpu.memref_slice %arg11[%dma_start3A_169, %dma_start3A_170] : memref<2x1040xf32, #tpu.memory_space<vmem>> -> memref<1x1024xf32, #tpu.memory_space<vmem>>
      %dma_start3A_172 = tpu.memref_squeeze %dma_start3A_171 : memref<1x1024xf32, #tpu.memory_space<vmem>> -> memref<1024xf32, #tpu.memory_space<vmem>>
      %dma_start3A_173 = arith.constant 0 : i32
      %dma_start3A_174 = tpu.memref_slice %arg2[%select_n3A, %add3A_168, %dma_start3A_173] : memref<8x4096x1024xf32, #tpu.memory_space<hbm>> -> memref<1x1x1024xf32, #tpu.memory_space<hbm>>
      %dma_start3A_175 = tpu.memref_squeeze %dma_start3A_174 : memref<1x1x1024xf32, #tpu.memory_space<hbm>> -> memref<1024xf32, #tpu.memory_space<hbm>>
      %dma_start3A_176 = arith.constant 0 : i32
      %dma_start3A_177 = tpu.memref_slice %arg11[%dma_start3A_169, %dma_start3A_176] : memref<2x1040xf32, #tpu.memory_space<vmem>> -> memref<1x1024xf32, #tpu.memory_space<vmem>>
      %dma_start3A_178 = tpu.memref_squeeze %dma_start3A_177 : memref<1x1024xf32, #tpu.memory_space<vmem>> -> memref<1024xf32, #tpu.memory_space<vmem>>
      %dma_start3A_179 = arith.constant 0 : i32
      %dma_start3A_180 = tpu.memref_slice %arg2[%select_n3A, %add3A_168, %dma_start3A_179] : memref<8x4096x1024xf32, #tpu.memory_space<hbm>> -> memref<1x1x1024xf32, #tpu.memory_space<hbm>>
      %dma_start3A_181 = tpu.memref_squeeze %dma_start3A_180 : memref<1x1x1024xf32, #tpu.memory_space<hbm>> -> memref<1024xf32, #tpu.memory_space<hbm>>
      tpu.enqueue_dma source(%dma_start3A_181 : memref<1024xf32, #tpu.memory_space<hbm>>) target(%dma_start3A_178 : memref<1024xf32, #tpu.memory_space<vmem>>) target_semaphore(%arg17 : memref<!tpu.dma_semaphore, #tpu.memory_space<semaphore_mem>>)
    } else {
    }
    %dma_wait3A_86 = arith.constant 512 : i32
    %dma_wait3A_87 = tpu.memref_slice %arg8[%dma_wait3A_86] : memref<1040xi32, #tpu.memory_space<vmem>> -> memref<512xi32, #tpu.memory_space<vmem>>
    %dma_wait3A_88 = tpu.memref_slice %arg3[%select_n3A, %add3A_41] : memref<8x4096xi32, #tpu.memory_space<hbm>> -> memref<1x512xi32, #tpu.memory_space<hbm>>
    %dma_wait3A_89 = tpu.memref_squeeze %dma_wait3A_88 : memref<1x512xi32, #tpu.memory_space<hbm>> -> memref<512xi32, #tpu.memory_space<hbm>>
    %dma_wait3A_90 = arith.constant 512 : i32
    %dma_wait3A_91 = tpu.memref_slice %arg8[%dma_wait3A_90] : memref<1040xi32, #tpu.memory_space<vmem>> -> memref<512xi32, #tpu.memory_space<vmem>>
    %dma_wait3A_92 = tpu.memref_slice %arg3[%select_n3A, %add3A_41] : memref<8x4096xi32, #tpu.memory_space<hbm>> -> memref<1x512xi32, #tpu.memory_space<hbm>>
    %dma_wait3A_93 = tpu.memref_squeeze %dma_wait3A_92 : memref<1x512xi32, #tpu.memory_space<hbm>> -> memref<512xi32, #tpu.memory_space<hbm>>
    tpu.wait_dma2 semaphore(%arg16 : memref<!tpu.dma_semaphore, #tpu.memory_space<semaphore_mem>>) src(%dma_wait3A_93 : memref<512xi32, #tpu.memory_space<hbm>>) dst(%dma_wait3A_91 : memref<512xi32, #tpu.memory_space<vmem>>)
    %scan3A_94 = arith.constant 16 : i32
    %scan3A_95 = arith.constant 16 : i32
    %scan3A_96 = arith.addi %scan3A_94, %scan3A_95 : i32
    %scan3A_97 = arith.constant 1 : i32
    %scan3A_98 = scf.for %scan3A_166 = %scan3A_94 to %scan3A_96 step %scan3A_97 iter_args(%scan3A_167 = %scan3A_82) -> (i32)  : i32 {
      %mul3A_168 = arith.constant 32 : i32
      %mul3A_169 = arith.muli %scan3A_166, %mul3A_168 : i32
      %get3A_170 = arith.index_cast %mul3A_169 : i32 to index
      %get3A_171 = tpu.vector_load %arg8[%get3A_170] {strides = array<i32>} : memref<1040xi32, #tpu.memory_space<vmem>>, vector<16xi32>,
      %eq3A_172 = arith.constant 1023 : i32
      %eq3A_173 = vector.broadcast %eq3A_172 : i32 to vector<16xi32>
      %eq3A_174 = arith.cmpi eq, %get3A_171, %eq3A_173 : vector<16xi32>
      %add3A_175 = vector.broadcast %mul3A_169 : i32 to vector<16xi32>
      %add3A_176 = arith.addi %add3A_175, %iota3A : vector<16xi32>
      %swap3A_177 = arith.index_cast %scan3A_167 : i32 to index
      %swap3A_178 = tpu.vector_load %arg10[%swap3A_177] masked %eq3A_174 {strides = array<i32>} : memref<1040xi32, #tpu.memory_space<vmem>>, vector<16xi32>, vector<16xi1>
      tpu.vector_store %arg10[%swap3A_177], %add3A_176 masked %eq3A_174 {strides = array<i32>} : memref<1040xi32, #tpu.memory_space<vmem>>, vector<16xi32>, vector<16xi1>
      %all_reduce_population_count3A = tpu.all_reduce %eq3A_174 {dim = 0 : i64, kind = #tpu.reduction_kind<sum>} : vector<16xi1> -> vector<16xi32>
      %slice3A = vector.extract_strided_slice %all_reduce_population_count3A {offsets = [0], sizes = [1], strides = [1]} : vector<16xi32> to vector<1xi32>
      %squeeze3A = vector.extract %slice3A[0] : i32 from vector<1xi32>
      %add3A_179 = arith.addi %scan3A_167, %squeeze3A : i32
      %add3A_180 = arith.constant 16 : i32
      %add3A_181 = arith.addi %mul3A_169, %add3A_180 : i32
      %get3A_182 = arith.index_cast %add3A_181 : i32 to index
      %get3A_183 = tpu.vector_load %arg8[%get3A_182] {strides = array<i32>} : memref<1040xi32, #tpu.memory_space<vmem>>, vector<16xi32>,
      %eq3A_184 = arith.constant 1023 : i32
      %eq3A_185 = vector.broadcast %eq3A_184 : i32 to vector<16xi32>
      %eq3A_186 = arith.cmpi eq, %get3A_183, %eq3A_185 : vector<16xi32>
      %add3A_187 = vector.broadcast %add3A_181 : i32 to vector<16xi32>
      %add3A_188 = arith.addi %add3A_187, %iota3A : vector<16xi32>
      %swap3A_189 = arith.index_cast %add3A_179 : i32 to index
      %swap3A_190 = tpu.vector_load %arg10[%swap3A_189] masked %eq3A_186 {strides = array<i32>} : memref<1040xi32, #tpu.memory_space<vmem>>, vector<16xi32>, vector<16xi1>
      tpu.vector_store %arg10[%swap3A_189], %add3A_188 masked %eq3A_186 {strides = array<i32>} : memref<1040xi32, #tpu.memory_space<vmem>>, vector<16xi32>, vector<16xi1>
      %all_reduce_population_count3A_191 = tpu.all_reduce %eq3A_186 {dim = 0 : i64, kind = #tpu.reduction_kind<sum>} : vector<16xi1> -> vector<16xi32>
      %slice3A_192 = vector.extract_strided_slice %all_reduce_population_count3A_191 {offsets = [0], sizes = [1], strides = [1]} : vector<16xi32> to vector<1xi32>
      %squeeze3A_193 = vector.extract %slice3A_192[0] : i32 from vector<1xi32>
      %add3A_194 = arith.addi %add3A_179, %squeeze3A_193 : i32
      scf.yield %add3A_194 : i32
    }
    %scan3A_99 = arith.constant 16 : i32
    %dma_wait3A_100 = arith.constant 0 : i32
    %dma_wait3A_101 = tpu.memref_slice %arg9[%dma_wait3A_100] : memref<1040xi32, #tpu.memory_space<vmem>> -> memref<1024xi32, #tpu.memory_space<vmem>>
    %dma_wait3A_102 = tpu.memref_slice %arg4[%select_n3A, %mul3A_32] : memref<8x4096xi32, #tpu.memory_space<hbm>> -> memref<1x1024xi32, #tpu.memory_space<hbm>>
    %dma_wait3A_103 = tpu.memref_squeeze %dma_wait3A_102 : memref<1x1024xi32, #tpu.memory_space<hbm>> -> memref<1024xi32, #tpu.memory_space<hbm>>
    %dma_wait3A_104 = arith.constant 0 : i32
    %dma_wait3A_105 = tpu.memref_slice %arg9[%dma_wait3A_104] : memref<1040xi32, #tpu.memory_space<vmem>> -> memref<1024xi32, #tpu.memory_space<vmem>>
    %dma_wait3A_106 = tpu.memref_slice %arg4[%select_n3A, %mul3A_32] : memref<8x4096xi32, #tpu.memory_space<hbm>> -> memref<1x1024xi32, #tpu.memory_space<hbm>>
    %dma_wait3A_107 = tpu.memref_squeeze %dma_wait3A_106 : memref<1x1024xi32, #tpu.memory_space<hbm>> -> memref<1024xi32, #tpu.memory_space<hbm>>
    tpu.wait_dma2 semaphore(%arg19 : memref<!tpu.dma_semaphore, #tpu.memory_space<semaphore_mem>>) src(%dma_wait3A_107 : memref<1024xi32, #tpu.memory_space<hbm>>) dst(%dma_wait3A_105 : memref<1024xi32, #tpu.memory_space<vmem>>)
    tpu.wait_dma2 semaphore(%arg18 : memref<!tpu.dma_semaphore, #tpu.memory_space<semaphore_mem>>) src(%arg5 : memref<16xf32, #tpu.memory_space<hbm>>) dst(%arg12 : memref<16xf32, #tpu.memory_space<vmem>>)
    %eq3A_108 = arith.constant 0 : i32
    %eq3A_109 = arith.cmpi eq, %scan3A_82, %eq3A_108 : i32
    %gt3A_110 = arith.constant 0 : i32
    %gt3A_111 = arith.cmpi sgt, %scan3A_98, %gt3A_110 : i32
    %and3A_112 = arith.andi %eq3A_109, %gt3A_111 : i1
    %convert_element_type3A_113 = arith.extui %and3A_112 : i1 to i32
    %cond3A_114 = arith.constant 0 : i32
    %cond3A_115 = arith.cmpi ne, %convert_element_type3A_113, %cond3A_114 : i32
    scf.if %cond3A_115 {
      %get3A_166 = arith.constant 0 : index
      %get3A_167 = tpu.vector_load %arg10[%get3A_166] {strides = array<i32>} : memref<1040xi32, #tpu.memory_space<vmem>>, vector<16xi32>,
      %slice3A = vector.extract_strided_slice %get3A_167 {offsets = [0], sizes = [1], strides = [1]} : vector<16xi32> to vector<1xi32>
      %squeeze3A = vector.extract %slice3A[0] : i32 from vector<1xi32>
      %add3A_168 = arith.addi %mul3A_32, %squeeze3A : i32
      %dma_start3A_169 = arith.constant 0 : i32
      %dma_start3A_170 = arith.constant 0 : i32
      %dma_start3A_171 = tpu.memref_slice %arg11[%dma_start3A_169, %dma_start3A_170] : memref<2x1040xf32, #tpu.memory_space<vmem>> -> memref<1x1024xf32, #tpu.memory_space<vmem>>
      %dma_start3A_172 = tpu.memref_squeeze %dma_start3A_171 : memref<1x1024xf32, #tpu.memory_space<vmem>> -> memref<1024xf32, #tpu.memory_space<vmem>>
      %dma_start3A_173 = arith.constant 0 : i32
      %dma_start3A_174 = tpu.memref_slice %arg2[%select_n3A, %add3A_168, %dma_start3A_173] : memref<8x4096x1024xf32, #tpu.memory_space<hbm>> -> memref<1x1x1024xf32, #tpu.memory_space<hbm>>
      %dma_start3A_175 = tpu.memref_squeeze %dma_start3A_174 : memref<1x1x1024xf32, #tpu.memory_space<hbm>> -> memref<1024xf32, #tpu.memory_space<hbm>>
      %dma_start3A_176 = arith.constant 0 : i32
      %dma_start3A_177 = tpu.memref_slice %arg11[%dma_start3A_169, %dma_start3A_176] : memref<2x1040xf32, #tpu.memory_space<vmem>> -> memref<1x1024xf32, #tpu.memory_space<vmem>>
      %dma_start3A_178 = tpu.memref_squeeze %dma_start3A_177 : memref<1x1024xf32, #tpu.memory_space<vmem>> -> memref<1024xf32, #tpu.memory_space<vmem>>
      %dma_start3A_179 = arith.constant 0 : i32
      %dma_start3A_180 = tpu.memref_slice %arg2[%select_n3A, %add3A_168, %dma_start3A_179] : memref<8x4096x1024xf32, #tpu.memory_space<hbm>> -> memref<1x1x1024xf32, #tpu.memory_space<hbm>>
      %dma_start3A_181 = tpu.memref_squeeze %dma_start3A_180 : memref<1x1x1024xf32, #tpu.memory_space<hbm>> -> memref<1024xf32, #tpu.memory_space<hbm>>
      tpu.enqueue_dma source(%dma_start3A_181 : memref<1024xf32, #tpu.memory_space<hbm>>) target(%dma_start3A_178 : memref<1024xf32, #tpu.memory_space<vmem>>) target_semaphore(%arg17 : memref<!tpu.dma_semaphore, #tpu.memory_space<semaphore_mem>>)
    } else {
    }
    %add3A_116 = arith.constant 1 : i32
    %add3A_117 = arith.addi %scan3A_98, %add3A_116 : i32
    %jit3A_118 = arith.constant 2 : i32
    %div3A_119 = arith.divsi %add3A_117, %jit3A_118 : i32
    %sign3A_120 = arith.constant 0 : i32
    %sign3A_121 = arith.cmpi sgt, %add3A_117, %sign3A_120 : i32
    %sign3A_122 = arith.extui %sign3A_121 : i1 to i32
    %sign3A_123 = arith.constant 0 : i32
    %sign3A_124 = arith.cmpi slt, %add3A_117, %sign3A_123 : i32
    %sign3A_125 = arith.extui %sign3A_124 : i1 to i32
    %sign3A_126 = arith.subi %sign3A_122, %sign3A_125 : i32
    %sign3A_127 = arith.constant 0 : i32
    %sign3A_128 = arith.cmpi sgt, %jit3A_118, %sign3A_127 : i32
    %sign3A_129 = arith.extui %sign3A_128 : i1 to i32
    %sign3A_130 = arith.constant 0 : i32
    %sign3A_131 = arith.cmpi slt, %jit3A_118, %sign3A_130 : i32
    %sign3A_132 = arith.extui %sign3A_131 : i1 to i32
    %sign3A_133 = arith.subi %sign3A_129, %sign3A_132 : i32
    %ne3A_134 = arith.cmpi ne, %sign3A_126, %sign3A_133 : i32
    %rem3A_135 = arith.remsi %add3A_117, %jit3A_118 : i32
    %ne3A_136 = arith.constant 0 : i32
    %ne3A_137 = arith.cmpi ne, %rem3A_135, %ne3A_136 : i32
    %and3A_138 = arith.andi %ne3A_134, %ne3A_137 : i1
    %sub3A_139 = arith.constant 1 : i32
    %sub3A_140 = arith.subi %div3A_119, %sub3A_139 : i32
    %select_n3A_141 = arith.select %and3A_138, %sub3A_140, %div3A_119 : i32
    %while3A = arith.constant 0 : i32
    %while3A_142 = arith.subi %select_n3A_141, %while3A : i32
    %while3A_143 = arith.addi %while3A, %while3A_142 : i32
    %while3A_144 = arith.constant 1 : i32
    %while3A_145 = arith.divsi %while3A_142, %while3A_144 : i32
    %while3A_146 = arith.muli %while3A_145, %while3A_144 : i32
    %while3A_147 = arith.addi %while3A, %while3A_146 : i32
    %while3A_148 = arith.constant 1 : i32
    %while3A_149:2 = scf.for %while3A_166 = %while3A to %while3A_147 step %while3A_148 iter_args(%while3A_167 = %broadcast_in_dim3A_58, %while3A_168 = %broadcast_in_dim3A_58) -> (vector<16xf32>, vector<16xf32>)  : i32 {
      %mul3A_169 = arith.constant 2 : i32
      %mul3A_170 = arith.muli %mul3A_169, %while3A_166 : i32
      %add3A_171 = arith.constant 1 : i32
      %add3A_172 = arith.addi %mul3A_170, %add3A_171 : i32
      %dma_wait3A_173 = arith.constant 0 : i32
      %dma_wait3A_174 = arith.constant 0 : i32
      %dma_wait3A_175 = arith.constant 0 : i32
      %dma_wait3A_176 = tpu.memref_slice %arg11[%dma_wait3A_174, %dma_wait3A_175] : memref<2x1040xf32, #tpu.memory_space<vmem>> -> memref<1x1024xf32, #tpu.memory_space<vmem>>
      %dma_wait3A_177 = tpu.memref_squeeze %dma_wait3A_176 : memref<1x1024xf32, #tpu.memory_space<vmem>> -> memref<1024xf32, #tpu.memory_space<vmem>>
      %dma_wait3A_178 = arith.constant 0 : i32
      %dma_wait3A_179 = tpu.memref_slice %arg2[%select_n3A, %dma_wait3A_173, %dma_wait3A_178] : memref<8x4096x1024xf32, #tpu.memory_space<hbm>> -> memref<1x1x1024xf32, #tpu.memory_space<hbm>>
      %dma_wait3A_180 = tpu.memref_squeeze %dma_wait3A_179 : memref<1x1x1024xf32, #tpu.memory_space<hbm>> -> memref<1024xf32, #tpu.memory_space<hbm>>
      %dma_wait3A_181 = arith.constant 0 : i32
      %dma_wait3A_182 = tpu.memref_slice %arg11[%dma_wait3A_174, %dma_wait3A_181] : memref<2x1040xf32, #tpu.memory_space<vmem>> -> memref<1x1024xf32, #tpu.memory_space<vmem>>
      %dma_wait3A_183 = tpu.memref_squeeze %dma_wait3A_182 : memref<1x1024xf32, #tpu.memory_space<vmem>> -> memref<1024xf32, #tpu.memory_space<vmem>>
      %dma_wait3A_184 = arith.constant 0 : i32
      %dma_wait3A_185 = tpu.memref_slice %arg2[%select_n3A, %dma_wait3A_173, %dma_wait3A_184] : memref<8x4096x1024xf32, #tpu.memory_space<hbm>> -> memref<1x1x1024xf32, #tpu.memory_space<hbm>>
      %dma_wait3A_186 = tpu.memref_squeeze %dma_wait3A_185 : memref<1x1x1024xf32, #tpu.memory_space<hbm>> -> memref<1024xf32, #tpu.memory_space<hbm>>
      tpu.wait_dma2 semaphore(%arg17 : memref<!tpu.dma_semaphore, #tpu.memory_space<semaphore_mem>>) src(%dma_wait3A_186 : memref<1024xf32, #tpu.memory_space<hbm>>) dst(%dma_wait3A_183 : memref<1024xf32, #tpu.memory_space<vmem>>)
      %lt3A_187 = arith.cmpi slt, %add3A_172, %scan3A_98 : i32
      %convert_element_type3A_188 = arith.extui %lt3A_187 : i1 to i32
      %cond3A_189 = arith.constant 0 : i32
      %cond3A_190 = arith.cmpi ne, %convert_element_type3A_188, %cond3A_189 : i32
      scf.if %cond3A_190 {
        %get3A_228 = arith.index_cast %add3A_172 : i32 to index
        %get3A_229 = tpu.vector_load %arg10[%get3A_228] {strides = array<i32>} : memref<1040xi32, #tpu.memory_space<vmem>>, vector<16xi32>,
        %slice3A_230 = vector.extract_strided_slice %get3A_229 {offsets = [0], sizes = [1], strides = [1]} : vector<16xi32> to vector<1xi32>
        %squeeze3A_231 = vector.extract %slice3A_230[0] : i32 from vector<1xi32>
        %add3A_232 = arith.addi %mul3A_32, %squeeze3A_231 : i32
        %dma_start3A_233 = arith.constant 1 : i32
        %dma_start3A_234 = arith.constant 0 : i32
        %dma_start3A_235 = tpu.memref_slice %arg11[%dma_start3A_233, %dma_start3A_234] : memref<2x1040xf32, #tpu.memory_space<vmem>> -> memref<1x1024xf32, #tpu.memory_space<vmem>>
        %dma_start3A_236 = tpu.memref_squeeze %dma_start3A_235 : memref<1x1024xf32, #tpu.memory_space<vmem>> -> memref<1024xf32, #tpu.memory_space<vmem>>
        %dma_start3A_237 = arith.constant 0 : i32
        %dma_start3A_238 = tpu.memref_slice %arg2[%select_n3A, %add3A_232, %dma_start3A_237] : memref<8x4096x1024xf32, #tpu.memory_space<hbm>> -> memref<1x1x1024xf32, #tpu.memory_space<hbm>>
        %dma_start3A_239 = tpu.memref_squeeze %dma_start3A_238 : memref<1x1x1024xf32, #tpu.memory_space<hbm>> -> memref<1024xf32, #tpu.memory_space<hbm>>
        %dma_start3A_240 = arith.constant 0 : i32
        %dma_start3A_241 = tpu.memref_slice %arg11[%dma_start3A_233, %dma_start3A_240] : memref<2x1040xf32, #tpu.memory_space<vmem>> -> memref<1x1024xf32, #tpu.memory_space<vmem>>
        %dma_start3A_242 = tpu.memref_squeeze %dma_start3A_241 : memref<1x1024xf32, #tpu.memory_space<vmem>> -> memref<1024xf32, #tpu.memory_space<vmem>>
        %dma_start3A_243 = arith.constant 0 : i32
        %dma_start3A_244 = tpu.memref_slice %arg2[%select_n3A, %add3A_232, %dma_start3A_243] : memref<8x4096x1024xf32, #tpu.memory_space<hbm>> -> memref<1x1x1024xf32, #tpu.memory_space<hbm>>
        %dma_start3A_245 = tpu.memref_squeeze %dma_start3A_244 : memref<1x1x1024xf32, #tpu.memory_space<hbm>> -> memref<1024xf32, #tpu.memory_space<hbm>>
        tpu.enqueue_dma source(%dma_start3A_245 : memref<1024xf32, #tpu.memory_space<hbm>>) target(%dma_start3A_242 : memref<1024xf32, #tpu.memory_space<vmem>>) target_semaphore(%arg18 : memref<!tpu.dma_semaphore, #tpu.memory_space<semaphore_mem>>)
      } else {
      }
      %get3A_191 = arith.index_cast %mul3A_170 : i32 to index
      %get3A_192 = tpu.vector_load %arg10[%get3A_191] {strides = array<i32>} : memref<1040xi32, #tpu.memory_space<vmem>>, vector<16xi32>,
      %slice3A = vector.extract_strided_slice %get3A_192 {offsets = [0], sizes = [1], strides = [1]} : vector<16xi32> to vector<1xi32>
      %squeeze3A = vector.extract %slice3A[0] : i32 from vector<1xi32>
      %get3A_193 = arith.index_cast %squeeze3A : i32 to index
      %get3A_194 = tpu.vector_load %arg9[%get3A_193] {strides = array<i32>} : memref<1040xi32, #tpu.memory_space<vmem>>, vector<16xi32>,
      %slice3A_195 = vector.extract_strided_slice %get3A_194 {offsets = [0], sizes = [1], strides = [1]} : vector<16xi32> to vector<1xi32>
      %squeeze3A_196 = vector.extract %slice3A_195[0] : i32 from vector<1xi32>
      %get3A_197 = arith.constant 0 : i32
      %get3A_198 = arith.index_cast %get3A_197 : i32 to index
      %get3A_199 = arith.index_cast %squeeze3A_196 : i32 to index
      %get3A_200 = tpu.vector_load %arg11[%get3A_198, %get3A_199] {strides = array<i32>} : memref<2x1040xf32, #tpu.memory_space<vmem>>, vector<16xf32>,
      %slice3A_201 = vector.extract_strided_slice %get3A_200 {offsets = [0], sizes = [1], strides = [1]} : vector<16xf32> to vector<1xf32>
      %squeeze3A_202 = vector.extract %slice3A_201[0] : f32 from vector<1xf32>
      %scan3A_203 = arith.constant 0 : i32
      %scan3A_204 = arith.constant 16 : i32
      %scan3A_205 = arith.addi %scan3A_203, %scan3A_204 : i32
      %scan3A_206 = arith.constant 1 : i32
      %scan3A_207:4 = scf.for %scan3A_228 = %scan3A_203 to %scan3A_205 step %scan3A_206 iter_args(%scan3A_229 = %broadcast_in_dim3A_58, %scan3A_230 = %broadcast_in_dim3A_58, %scan3A_231 = %broadcast_in_dim3A_58, %scan3A_232 = %broadcast_in_dim3A_58) -> (vector<16xf32>, vector<16xf32>, vector<16xf32>, vector<16xf32>)  : i32 {
        %mul3A_233 = arith.constant 64 : i32
        %mul3A_234 = arith.muli %scan3A_228, %mul3A_233 : i32
        %add3A_235 = arith.constant 0 : i32
        %add3A_236 = arith.addi %mul3A_234, %add3A_235 : i32
        %get3A_237 = arith.constant 0 : i32
        %get3A_238 = arith.index_cast %get3A_237 : i32 to index
        %get3A_239 = arith.index_cast %add3A_236 : i32 to index
        %get3A_240 = tpu.vector_load %arg11[%get3A_238, %get3A_239] {strides = array<i32>} : memref<2x1040xf32, #tpu.memory_space<vmem>>, vector<16xf32>,
        %exp3A_241 = math.exp %get3A_240 : vector<16xf32>
        %add3A_242 = arith.addf %scan3A_229, %exp3A_241 : vector<16xf32>
        %add3A_243 = arith.constant 16 : i32
        %add3A_244 = arith.addi %mul3A_234, %add3A_243 : i32
        %get3A_245 = arith.constant 0 : i32
        %get3A_246 = arith.index_cast %get3A_245 : i32 to index
        %get3A_247 = arith.index_cast %add3A_244 : i32 to index
        %get3A_248 = tpu.vector_load %arg11[%get3A_246, %get3A_247] {strides = array<i32>} : memref<2x1040xf32, #tpu.memory_space<vmem>>, vector<16xf32>,
        %exp3A_249 = math.exp %get3A_248 : vector<16xf32>
        %add3A_250 = arith.addf %scan3A_230, %exp3A_249 : vector<16xf32>
        %add3A_251 = arith.constant 32 : i32
        %add3A_252 = arith.addi %mul3A_234, %add3A_251 : i32
        %get3A_253 = arith.constant 0 : i32
        %get3A_254 = arith.index_cast %get3A_253 : i32 to index
        %get3A_255 = arith.index_cast %add3A_252 : i32 to index
        %get3A_256 = tpu.vector_load %arg11[%get3A_254, %get3A_255] {strides = array<i32>} : memref<2x1040xf32, #tpu.memory_space<vmem>>, vector<16xf32>,
        %exp3A_257 = math.exp %get3A_256 : vector<16xf32>
        %add3A_258 = arith.addf %scan3A_231, %exp3A_257 : vector<16xf32>
        %add3A_259 = arith.constant 48 : i32
        %add3A_260 = arith.addi %mul3A_234, %add3A_259 : i32
        %get3A_261 = arith.constant 0 : i32
        %get3A_262 = arith.index_cast %get3A_261 : i32 to index
        %get3A_263 = arith.index_cast %add3A_260 : i32 to index
        %get3A_264 = tpu.vector_load %arg11[%get3A_262, %get3A_263] {strides = array<i32>} : memref<2x1040xf32, #tpu.memory_space<vmem>>, vector<16xf32>,
        %exp3A_265 = math.exp %get3A_264 : vector<16xf32>
        %add3A_266 = arith.addf %scan3A_232, %exp3A_265 : vector<16xf32>
        scf.yield %add3A_242, %add3A_250, %add3A_258, %add3A_266 : vector<16xf32>, vector<16xf32>, vector<16xf32>, vector<16xf32>
      }
      %scan3A_208 = arith.constant 16 : i32
      %add3A_209 = arith.addf %scan3A_207#0, %scan3A_207#1 : vector<16xf32>
      %add3A_210 = arith.addf %scan3A_207#2, %scan3A_207#3 : vector<16xf32>
      %add3A_211 = arith.addf %add3A_209, %add3A_210 : vector<16xf32>
      %get3A_212 = arith.constant 0 : i32
      %get3A_213 = arith.index_cast %get3A_212 : i32 to index
      %get3A_214 = arith.constant 1008 : index
      %get3A_215 = tpu.vector_load %arg11[%get3A_213, %get3A_214] {strides = array<i32>} : memref<2x1040xf32, #tpu.memory_space<vmem>>, vector<16xf32>,
      %exp3A = math.exp %get3A_215 : vector<16xf32>
      %jit3A_216 = arith.constant 0.000000e+00 : f32
      %broadcast_in_dim3A_217 = vector.broadcast %jit3A_216 : f32 to vector<16xf32>
      %select_n3A_218 = arith.select %eq3A_68, %exp3A, %broadcast_in_dim3A_217 : vector<16xi1>, vector<16xf32>
      %sub3A_219 = arith.subf %add3A_211, %select_n3A_218 : vector<16xf32>
      %add3A_220 = arith.addf %while3A_167, %sub3A_219 : vector<16xf32>
      %broadcast_in_dim3A_221 = vector.broadcast %squeeze3A_202 : f32 to vector<16xf32>
      %add3A_222 = arith.addf %while3A_168, %broadcast_in_dim3A_221 : vector<16xf32>
      %lt3A_223 = arith.cmpi slt, %add3A_172, %scan3A_98 : i32
      %convert_element_type3A_224 = arith.extui %lt3A_223 : i1 to i32
      %cond3A_225 = arith.constant 0 : i32
      %cond3A_226 = arith.cmpi ne, %convert_element_type3A_224, %cond3A_225 : i32
      %cond3A_227:2 = scf.if %cond3A_226 -> (vector<16xf32>, vector<16xf32>) {
        %dma_wait3A_228 = arith.constant 0 : i32
        %dma_wait3A_229 = arith.constant 1 : i32
        %dma_wait3A_230 = arith.constant 0 : i32
        %dma_wait3A_231 = tpu.memref_slice %arg11[%dma_wait3A_229, %dma_wait3A_230] : memref<2x1040xf32, #tpu.memory_space<vmem>> -> memref<1x1024xf32, #tpu.memory_space<vmem>>
        %dma_wait3A_232 = tpu.memref_squeeze %dma_wait3A_231 : memref<1x1024xf32, #tpu.memory_space<vmem>> -> memref<1024xf32, #tpu.memory_space<vmem>>
        %dma_wait3A_233 = arith.constant 0 : i32
        %dma_wait3A_234 = tpu.memref_slice %arg2[%select_n3A, %dma_wait3A_228, %dma_wait3A_233] : memref<8x4096x1024xf32, #tpu.memory_space<hbm>> -> memref<1x1x1024xf32, #tpu.memory_space<hbm>>
        %dma_wait3A_235 = tpu.memref_squeeze %dma_wait3A_234 : memref<1x1x1024xf32, #tpu.memory_space<hbm>> -> memref<1024xf32, #tpu.memory_space<hbm>>
        %dma_wait3A_236 = arith.constant 0 : i32
        %dma_wait3A_237 = tpu.memref_slice %arg11[%dma_wait3A_229, %dma_wait3A_236] : memref<2x1040xf32, #tpu.memory_space<vmem>> -> memref<1x1024xf32, #tpu.memory_space<vmem>>
        %dma_wait3A_238 = tpu.memref_squeeze %dma_wait3A_237 : memref<1x1024xf32, #tpu.memory_space<vmem>> -> memref<1024xf32, #tpu.memory_space<vmem>>
        %dma_wait3A_239 = arith.constant 0 : i32
        %dma_wait3A_240 = tpu.memref_slice %arg2[%select_n3A, %dma_wait3A_228, %dma_wait3A_239] : memref<8x4096x1024xf32, #tpu.memory_space<hbm>> -> memref<1x1x1024xf32, #tpu.memory_space<hbm>>
        %dma_wait3A_241 = tpu.memref_squeeze %dma_wait3A_240 : memref<1x1x1024xf32, #tpu.memory_space<hbm>> -> memref<1024xf32, #tpu.memory_space<hbm>>
        tpu.wait_dma2 semaphore(%arg18 : memref<!tpu.dma_semaphore, #tpu.memory_space<semaphore_mem>>) src(%dma_wait3A_241 : memref<1024xf32, #tpu.memory_space<hbm>>) dst(%dma_wait3A_238 : memref<1024xf32, #tpu.memory_space<vmem>>)
        %add3A_242 = arith.constant 1 : i32
        %add3A_243 = arith.addi %add3A_172, %add3A_242 : i32
        %lt3A_244 = arith.cmpi slt, %add3A_243, %scan3A_98 : i32
        %convert_element_type3A_245 = arith.extui %lt3A_244 : i1 to i32
        %cond3A_246 = arith.constant 0 : i32
        %cond3A_247 = arith.cmpi ne, %convert_element_type3A_245, %cond3A_246 : i32
        scf.if %cond3A_247 {
          %add3A_283 = arith.constant 1 : i32
          %add3A_284 = arith.addi %add3A_172, %add3A_283 : i32
          %get3A_285 = arith.index_cast %add3A_284 : i32 to index
          %get3A_286 = tpu.vector_load %arg10[%get3A_285] {strides = array<i32>} : memref<1040xi32, #tpu.memory_space<vmem>>, vector<16xi32>,
          %slice3A_287 = vector.extract_strided_slice %get3A_286 {offsets = [0], sizes = [1], strides = [1]} : vector<16xi32> to vector<1xi32>
          %squeeze3A_288 = vector.extract %slice3A_287[0] : i32 from vector<1xi32>
          %add3A_289 = arith.addi %mul3A_32, %squeeze3A_288 : i32
          %dma_start3A_290 = arith.constant 0 : i32
          %dma_start3A_291 = arith.constant 0 : i32
          %dma_start3A_292 = tpu.memref_slice %arg11[%dma_start3A_290, %dma_start3A_291] : memref<2x1040xf32, #tpu.memory_space<vmem>> -> memref<1x1024xf32, #tpu.memory_space<vmem>>
          %dma_start3A_293 = tpu.memref_squeeze %dma_start3A_292 : memref<1x1024xf32, #tpu.memory_space<vmem>> -> memref<1024xf32, #tpu.memory_space<vmem>>
          %dma_start3A_294 = arith.constant 0 : i32
          %dma_start3A_295 = tpu.memref_slice %arg2[%select_n3A, %add3A_289, %dma_start3A_294] : memref<8x4096x1024xf32, #tpu.memory_space<hbm>> -> memref<1x1x1024xf32, #tpu.memory_space<hbm>>
          %dma_start3A_296 = tpu.memref_squeeze %dma_start3A_295 : memref<1x1x1024xf32, #tpu.memory_space<hbm>> -> memref<1024xf32, #tpu.memory_space<hbm>>
          %dma_start3A_297 = arith.constant 0 : i32
          %dma_start3A_298 = tpu.memref_slice %arg11[%dma_start3A_290, %dma_start3A_297] : memref<2x1040xf32, #tpu.memory_space<vmem>> -> memref<1x1024xf32, #tpu.memory_space<vmem>>
          %dma_start3A_299 = tpu.memref_squeeze %dma_start3A_298 : memref<1x1024xf32, #tpu.memory_space<vmem>> -> memref<1024xf32, #tpu.memory_space<vmem>>
          %dma_start3A_300 = arith.constant 0 : i32
          %dma_start3A_301 = tpu.memref_slice %arg2[%select_n3A, %add3A_289, %dma_start3A_300] : memref<8x4096x1024xf32, #tpu.memory_space<hbm>> -> memref<1x1x1024xf32, #tpu.memory_space<hbm>>
          %dma_start3A_302 = tpu.memref_squeeze %dma_start3A_301 : memref<1x1x1024xf32, #tpu.memory_space<hbm>> -> memref<1024xf32, #tpu.memory_space<hbm>>
          tpu.enqueue_dma source(%dma_start3A_302 : memref<1024xf32, #tpu.memory_space<hbm>>) target(%dma_start3A_299 : memref<1024xf32, #tpu.memory_space<vmem>>) target_semaphore(%arg17 : memref<!tpu.dma_semaphore, #tpu.memory_space<semaphore_mem>>)
        } else {
        }
        %get3A_248 = arith.index_cast %add3A_172 : i32 to index
        %get3A_249 = tpu.vector_load %arg10[%get3A_248] {strides = array<i32>} : memref<1040xi32, #tpu.memory_space<vmem>>, vector<16xi32>,
        %slice3A_250 = vector.extract_strided_slice %get3A_249 {offsets = [0], sizes = [1], strides = [1]} : vector<16xi32> to vector<1xi32>
        %squeeze3A_251 = vector.extract %slice3A_250[0] : i32 from vector<1xi32>
        %get3A_252 = arith.index_cast %squeeze3A_251 : i32 to index
        %get3A_253 = tpu.vector_load %arg9[%get3A_252] {strides = array<i32>} : memref<1040xi32, #tpu.memory_space<vmem>>, vector<16xi32>,
        %slice3A_254 = vector.extract_strided_slice %get3A_253 {offsets = [0], sizes = [1], strides = [1]} : vector<16xi32> to vector<1xi32>
        %squeeze3A_255 = vector.extract %slice3A_254[0] : i32 from vector<1xi32>
        %get3A_256 = arith.constant 1 : i32
        %get3A_257 = arith.index_cast %get3A_256 : i32 to index
        %get3A_258 = arith.index_cast %squeeze3A_255 : i32 to index
        %get3A_259 = tpu.vector_load %arg11[%get3A_257, %get3A_258] {strides = array<i32>} : memref<2x1040xf32, #tpu.memory_space<vmem>>, vector<16xf32>,
        %slice3A_260 = vector.extract_strided_slice %get3A_259 {offsets = [0], sizes = [1], strides = [1]} : vector<16xf32> to vector<1xf32>
        %squeeze3A_261 = vector.extract %slice3A_260[0] : f32 from vector<1xf32>
        %scan3A_262 = arith.constant 0 : i32
        %scan3A_263 = arith.constant 16 : i32
        %scan3A_264 = arith.addi %scan3A_262, %scan3A_263 : i32
        %scan3A_265 = arith.constant 1 : i32
        %scan3A_266:4 = scf.for %scan3A_283 = %scan3A_262 to %scan3A_264 step %scan3A_265 iter_args(%scan3A_284 = %broadcast_in_dim3A_58, %scan3A_285 = %broadcast_in_dim3A_58, %scan3A_286 = %broadcast_in_dim3A_58, %scan3A_287 = %broadcast_in_dim3A_58) -> (vector<16xf32>, vector<16xf32>, vector<16xf32>, vector<16xf32>)  : i32 {
          %mul3A_288 = arith.constant 64 : i32
          %mul3A_289 = arith.muli %scan3A_283, %mul3A_288 : i32
          %add3A_290 = arith.constant 0 : i32
          %add3A_291 = arith.addi %mul3A_289, %add3A_290 : i32
          %get3A_292 = arith.constant 1 : i32
          %get3A_293 = arith.index_cast %get3A_292 : i32 to index
          %get3A_294 = arith.index_cast %add3A_291 : i32 to index
          %get3A_295 = tpu.vector_load %arg11[%get3A_293, %get3A_294] {strides = array<i32>} : memref<2x1040xf32, #tpu.memory_space<vmem>>, vector<16xf32>,
          %exp3A_296 = math.exp %get3A_295 : vector<16xf32>
          %add3A_297 = arith.addf %scan3A_284, %exp3A_296 : vector<16xf32>
          %add3A_298 = arith.constant 16 : i32
          %add3A_299 = arith.addi %mul3A_289, %add3A_298 : i32
          %get3A_300 = arith.constant 1 : i32
          %get3A_301 = arith.index_cast %get3A_300 : i32 to index
          %get3A_302 = arith.index_cast %add3A_299 : i32 to index
          %get3A_303 = tpu.vector_load %arg11[%get3A_301, %get3A_302] {strides = array<i32>} : memref<2x1040xf32, #tpu.memory_space<vmem>>, vector<16xf32>,
          %exp3A_304 = math.exp %get3A_303 : vector<16xf32>
          %add3A_305 = arith.addf %scan3A_285, %exp3A_304 : vector<16xf32>
          %add3A_306 = arith.constant 32 : i32
          %add3A_307 = arith.addi %mul3A_289, %add3A_306 : i32
          %get3A_308 = arith.constant 1 : i32
          %get3A_309 = arith.index_cast %get3A_308 : i32 to index
          %get3A_310 = arith.index_cast %add3A_307 : i32 to index
          %get3A_311 = tpu.vector_load %arg11[%get3A_309, %get3A_310] {strides = array<i32>} : memref<2x1040xf32, #tpu.memory_space<vmem>>, vector<16xf32>,
          %exp3A_312 = math.exp %get3A_311 : vector<16xf32>
          %add3A_313 = arith.addf %scan3A_286, %exp3A_312 : vector<16xf32>
          %add3A_314 = arith.constant 48 : i32
          %add3A_315 = arith.addi %mul3A_289, %add3A_314 : i32
          %get3A_316 = arith.constant 1 : i32
          %get3A_317 = arith.index_cast %get3A_316 : i32 to index
          %get3A_318 = arith.index_cast %add3A_315 : i32 to index
          %get3A_319 = tpu.vector_load %arg11[%get3A_317, %get3A_318] {strides = array<i32>} : memref<2x1040xf32, #tpu.memory_space<vmem>>, vector<16xf32>,
          %exp3A_320 = math.exp %get3A_319 : vector<16xf32>
          %add3A_321 = arith.addf %scan3A_287, %exp3A_320 : vector<16xf32>
          scf.yield %add3A_297, %add3A_305, %add3A_313, %add3A_321 : vector<16xf32>, vector<16xf32>, vector<16xf32>, vector<16xf32>
        }
        %scan3A_267 = arith.constant 16 : i32
        %add3A_268 = arith.addf %scan3A_266#0, %scan3A_266#1 : vector<16xf32>
        %add3A_269 = arith.addf %scan3A_266#2, %scan3A_266#3 : vector<16xf32>
        %add3A_270 = arith.addf %add3A_268, %add3A_269 : vector<16xf32>
        %get3A_271 = arith.constant 1 : i32
        %get3A_272 = arith.index_cast %get3A_271 : i32 to index
        %get3A_273 = arith.constant 1008 : index
        %get3A_274 = tpu.vector_load %arg11[%get3A_272, %get3A_273] {strides = array<i32>} : memref<2x1040xf32, #tpu.memory_space<vmem>>, vector<16xf32>,
        %exp3A_275 = math.exp %get3A_274 : vector<16xf32>
        %jit3A_276 = arith.constant 0.000000e+00 : f32
        %broadcast_in_dim3A_277 = vector.broadcast %jit3A_276 : f32 to vector<16xf32>
        %select_n3A_278 = arith.select %eq3A_68, %exp3A_275, %broadcast_in_dim3A_277 : vector<16xi1>, vector<16xf32>
        %sub3A_279 = arith.subf %add3A_270, %select_n3A_278 : vector<16xf32>
        %add3A_280 = arith.addf %add3A_220, %sub3A_279 : vector<16xf32>
        %broadcast_in_dim3A_281 = vector.broadcast %squeeze3A_261 : f32 to vector<16xf32>
        %add3A_282 = arith.addf %add3A_222, %broadcast_in_dim3A_281 : vector<16xf32>
        scf.yield %add3A_280, %add3A_282 : vector<16xf32>, vector<16xf32>
      } else {
        scf.yield %add3A_220, %add3A_222 : vector<16xf32>, vector<16xf32>
      }
      scf.yield %cond3A_227#0, %cond3A_227#1 : vector<16xf32>, vector<16xf32>
    }
    %while3A_150 = arith.constant 1 : i32
    %while3A_151:2 = scf.for %while3A_166 = %while3A_147 to %while3A_143 step %while3A_150 iter_args(%while3A_167 = %while3A_149#0, %while3A_168 = %while3A_149#1) -> (vector<16xf32>, vector<16xf32>)  : i32 {
      %mul3A_169 = arith.constant 2 : i32
      %mul3A_170 = arith.muli %mul3A_169, %while3A_166 : i32
      %add3A_171 = arith.constant 1 : i32
      %add3A_172 = arith.addi %mul3A_170, %add3A_171 : i32
      %dma_wait3A_173 = arith.constant 0 : i32
      %dma_wait3A_174 = arith.constant 0 : i32
      %dma_wait3A_175 = arith.constant 0 : i32
      %dma_wait3A_176 = tpu.memref_slice %arg11[%dma_wait3A_174, %dma_wait3A_175] : memref<2x1040xf32, #tpu.memory_space<vmem>> -> memref<1x1024xf32, #tpu.memory_space<vmem>>
      %dma_wait3A_177 = tpu.memref_squeeze %dma_wait3A_176 : memref<1x1024xf32, #tpu.memory_space<vmem>> -> memref<1024xf32, #tpu.memory_space<vmem>>
      %dma_wait3A_178 = arith.constant 0 : i32
      %dma_wait3A_179 = tpu.memref_slice %arg2[%select_n3A, %dma_wait3A_173, %dma_wait3A_178] : memref<8x4096x1024xf32, #tpu.memory_space<hbm>> -> memref<1x1x1024xf32, #tpu.memory_space<hbm>>
      %dma_wait3A_180 = tpu.memref_squeeze %dma_wait3A_179 : memref<1x1x1024xf32, #tpu.memory_space<hbm>> -> memref<1024xf32, #tpu.memory_space<hbm>>
      %dma_wait3A_181 = arith.constant 0 : i32
      %dma_wait3A_182 = tpu.memref_slice %arg11[%dma_wait3A_174, %dma_wait3A_181] : memref<2x1040xf32, #tpu.memory_space<vmem>> -> memref<1x1024xf32, #tpu.memory_space<vmem>>
      %dma_wait3A_183 = tpu.memref_squeeze %dma_wait3A_182 : memref<1x1024xf32, #tpu.memory_space<vmem>> -> memref<1024xf32, #tpu.memory_space<vmem>>
      %dma_wait3A_184 = arith.constant 0 : i32
      %dma_wait3A_185 = tpu.memref_slice %arg2[%select_n3A, %dma_wait3A_173, %dma_wait3A_184] : memref<8x4096x1024xf32, #tpu.memory_space<hbm>> -> memref<1x1x1024xf32, #tpu.memory_space<hbm>>
      %dma_wait3A_186 = tpu.memref_squeeze %dma_wait3A_185 : memref<1x1x1024xf32, #tpu.memory_space<hbm>> -> memref<1024xf32, #tpu.memory_space<hbm>>
      tpu.wait_dma2 semaphore(%arg17 : memref<!tpu.dma_semaphore, #tpu.memory_space<semaphore_mem>>) src(%dma_wait3A_186 : memref<1024xf32, #tpu.memory_space<hbm>>) dst(%dma_wait3A_183 : memref<1024xf32, #tpu.memory_space<vmem>>)
      %lt3A_187 = arith.cmpi slt, %add3A_172, %scan3A_98 : i32
      %convert_element_type3A_188 = arith.extui %lt3A_187 : i1 to i32
      %cond3A_189 = arith.constant 0 : i32
      %cond3A_190 = arith.cmpi ne, %convert_element_type3A_188, %cond3A_189 : i32
      scf.if %cond3A_190 {
        %get3A_228 = arith.index_cast %add3A_172 : i32 to index
        %get3A_229 = tpu.vector_load %arg10[%get3A_228] {strides = array<i32>} : memref<1040xi32, #tpu.memory_space<vmem>>, vector<16xi32>,
        %slice3A_230 = vector.extract_strided_slice %get3A_229 {offsets = [0], sizes = [1], strides = [1]} : vector<16xi32> to vector<1xi32>
        %squeeze3A_231 = vector.extract %slice3A_230[0] : i32 from vector<1xi32>
        %add3A_232 = arith.addi %mul3A_32, %squeeze3A_231 : i32
        %dma_start3A_233 = arith.constant 1 : i32
        %dma_start3A_234 = arith.constant 0 : i32
        %dma_start3A_235 = tpu.memref_slice %arg11[%dma_start3A_233, %dma_start3A_234] : memref<2x1040xf32, #tpu.memory_space<vmem>> -> memref<1x1024xf32, #tpu.memory_space<vmem>>
        %dma_start3A_236 = tpu.memref_squeeze %dma_start3A_235 : memref<1x1024xf32, #tpu.memory_space<vmem>> -> memref<1024xf32, #tpu.memory_space<vmem>>
        %dma_start3A_237 = arith.constant 0 : i32
        %dma_start3A_238 = tpu.memref_slice %arg2[%select_n3A, %add3A_232, %dma_start3A_237] : memref<8x4096x1024xf32, #tpu.memory_space<hbm>> -> memref<1x1x1024xf32, #tpu.memory_space<hbm>>
        %dma_start3A_239 = tpu.memref_squeeze %dma_start3A_238 : memref<1x1x1024xf32, #tpu.memory_space<hbm>> -> memref<1024xf32, #tpu.memory_space<hbm>>
        %dma_start3A_240 = arith.constant 0 : i32
        %dma_start3A_241 = tpu.memref_slice %arg11[%dma_start3A_233, %dma_start3A_240] : memref<2x1040xf32, #tpu.memory_space<vmem>> -> memref<1x1024xf32, #tpu.memory_space<vmem>>
        %dma_start3A_242 = tpu.memref_squeeze %dma_start3A_241 : memref<1x1024xf32, #tpu.memory_space<vmem>> -> memref<1024xf32, #tpu.memory_space<vmem>>
        %dma_start3A_243 = arith.constant 0 : i32
        %dma_start3A_244 = tpu.memref_slice %arg2[%select_n3A, %add3A_232, %dma_start3A_243] : memref<8x4096x1024xf32, #tpu.memory_space<hbm>> -> memref<1x1x1024xf32, #tpu.memory_space<hbm>>
        %dma_start3A_245 = tpu.memref_squeeze %dma_start3A_244 : memref<1x1x1024xf32, #tpu.memory_space<hbm>> -> memref<1024xf32, #tpu.memory_space<hbm>>
        tpu.enqueue_dma source(%dma_start3A_245 : memref<1024xf32, #tpu.memory_space<hbm>>) target(%dma_start3A_242 : memref<1024xf32, #tpu.memory_space<vmem>>) target_semaphore(%arg18 : memref<!tpu.dma_semaphore, #tpu.memory_space<semaphore_mem>>)
      } else {
      }
      %get3A_191 = arith.index_cast %mul3A_170 : i32 to index
      %get3A_192 = tpu.vector_load %arg10[%get3A_191] {strides = array<i32>} : memref<1040xi32, #tpu.memory_space<vmem>>, vector<16xi32>,
      %slice3A = vector.extract_strided_slice %get3A_192 {offsets = [0], sizes = [1], strides = [1]} : vector<16xi32> to vector<1xi32>
      %squeeze3A = vector.extract %slice3A[0] : i32 from vector<1xi32>
      %get3A_193 = arith.index_cast %squeeze3A : i32 to index
      %get3A_194 = tpu.vector_load %arg9[%get3A_193] {strides = array<i32>} : memref<1040xi32, #tpu.memory_space<vmem>>, vector<16xi32>,
      %slice3A_195 = vector.extract_strided_slice %get3A_194 {offsets = [0], sizes = [1], strides = [1]} : vector<16xi32> to vector<1xi32>
      %squeeze3A_196 = vector.extract %slice3A_195[0] : i32 from vector<1xi32>
      %get3A_197 = arith.constant 0 : i32
      %get3A_198 = arith.index_cast %get3A_197 : i32 to index
      %get3A_199 = arith.index_cast %squeeze3A_196 : i32 to index
      %get3A_200 = tpu.vector_load %arg11[%get3A_198, %get3A_199] {strides = array<i32>} : memref<2x1040xf32, #tpu.memory_space<vmem>>, vector<16xf32>,
      %slice3A_201 = vector.extract_strided_slice %get3A_200 {offsets = [0], sizes = [1], strides = [1]} : vector<16xf32> to vector<1xf32>
      %squeeze3A_202 = vector.extract %slice3A_201[0] : f32 from vector<1xf32>
      %scan3A_203 = arith.constant 0 : i32
      %scan3A_204 = arith.constant 16 : i32
      %scan3A_205 = arith.addi %scan3A_203, %scan3A_204 : i32
      %scan3A_206 = arith.constant 1 : i32
      %scan3A_207:4 = scf.for %scan3A_228 = %scan3A_203 to %scan3A_205 step %scan3A_206 iter_args(%scan3A_229 = %broadcast_in_dim3A_58, %scan3A_230 = %broadcast_in_dim3A_58, %scan3A_231 = %broadcast_in_dim3A_58, %scan3A_232 = %broadcast_in_dim3A_58) -> (vector<16xf32>, vector<16xf32>, vector<16xf32>, vector<16xf32>)  : i32 {
        %mul3A_233 = arith.constant 64 : i32
        %mul3A_234 = arith.muli %scan3A_228, %mul3A_233 : i32
        %add3A_235 = arith.constant 0 : i32
        %add3A_236 = arith.addi %mul3A_234, %add3A_235 : i32
        %get3A_237 = arith.constant 0 : i32
        %get3A_238 = arith.index_cast %get3A_237 : i32 to index
        %get3A_239 = arith.index_cast %add3A_236 : i32 to index
        %get3A_240 = tpu.vector_load %arg11[%get3A_238, %get3A_239] {strides = array<i32>} : memref<2x1040xf32, #tpu.memory_space<vmem>>, vector<16xf32>,
        %exp3A_241 = math.exp %get3A_240 : vector<16xf32>
        %add3A_242 = arith.addf %scan3A_229, %exp3A_241 : vector<16xf32>
        %add3A_243 = arith.constant 16 : i32
        %add3A_244 = arith.addi %mul3A_234, %add3A_243 : i32
        %get3A_245 = arith.constant 0 : i32
        %get3A_246 = arith.index_cast %get3A_245 : i32 to index
        %get3A_247 = arith.index_cast %add3A_244 : i32 to index
        %get3A_248 = tpu.vector_load %arg11[%get3A_246, %get3A_247] {strides = array<i32>} : memref<2x1040xf32, #tpu.memory_space<vmem>>, vector<16xf32>,
        %exp3A_249 = math.exp %get3A_248 : vector<16xf32>
        %add3A_250 = arith.addf %scan3A_230, %exp3A_249 : vector<16xf32>
        %add3A_251 = arith.constant 32 : i32
        %add3A_252 = arith.addi %mul3A_234, %add3A_251 : i32
        %get3A_253 = arith.constant 0 : i32
        %get3A_254 = arith.index_cast %get3A_253 : i32 to index
        %get3A_255 = arith.index_cast %add3A_252 : i32 to index
        %get3A_256 = tpu.vector_load %arg11[%get3A_254, %get3A_255] {strides = array<i32>} : memref<2x1040xf32, #tpu.memory_space<vmem>>, vector<16xf32>,
        %exp3A_257 = math.exp %get3A_256 : vector<16xf32>
        %add3A_258 = arith.addf %scan3A_231, %exp3A_257 : vector<16xf32>
        %add3A_259 = arith.constant 48 : i32
        %add3A_260 = arith.addi %mul3A_234, %add3A_259 : i32
        %get3A_261 = arith.constant 0 : i32
        %get3A_262 = arith.index_cast %get3A_261 : i32 to index
        %get3A_263 = arith.index_cast %add3A_260 : i32 to index
        %get3A_264 = tpu.vector_load %arg11[%get3A_262, %get3A_263] {strides = array<i32>} : memref<2x1040xf32, #tpu.memory_space<vmem>>, vector<16xf32>,
        %exp3A_265 = math.exp %get3A_264 : vector<16xf32>
        %add3A_266 = arith.addf %scan3A_232, %exp3A_265 : vector<16xf32>
        scf.yield %add3A_242, %add3A_250, %add3A_258, %add3A_266 : vector<16xf32>, vector<16xf32>, vector<16xf32>, vector<16xf32>
      }
      %scan3A_208 = arith.constant 16 : i32
      %add3A_209 = arith.addf %scan3A_207#0, %scan3A_207#1 : vector<16xf32>
      %add3A_210 = arith.addf %scan3A_207#2, %scan3A_207#3 : vector<16xf32>
      %add3A_211 = arith.addf %add3A_209, %add3A_210 : vector<16xf32>
      %get3A_212 = arith.constant 0 : i32
      %get3A_213 = arith.index_cast %get3A_212 : i32 to index
      %get3A_214 = arith.constant 1008 : index
      %get3A_215 = tpu.vector_load %arg11[%get3A_213, %get3A_214] {strides = array<i32>} : memref<2x1040xf32, #tpu.memory_space<vmem>>, vector<16xf32>,
      %exp3A = math.exp %get3A_215 : vector<16xf32>
      %jit3A_216 = arith.constant 0.000000e+00 : f32
      %broadcast_in_dim3A_217 = vector.broadcast %jit3A_216 : f32 to vector<16xf32>
      %select_n3A_218 = arith.select %eq3A_68, %exp3A, %broadcast_in_dim3A_217 : vector<16xi1>, vector<16xf32>
      %sub3A_219 = arith.subf %add3A_211, %select_n3A_218 : vector<16xf32>
      %add3A_220 = arith.addf %while3A_167, %sub3A_219 : vector<16xf32>
      %broadcast_in_dim3A_221 = vector.broadcast %squeeze3A_202 : f32 to vector<16xf32>
      %add3A_222 = arith.addf %while3A_168, %broadcast_in_dim3A_221 : vector<16xf32>
      %lt3A_223 = arith.cmpi slt, %add3A_172, %scan3A_98 : i32
      %convert_element_type3A_224 = arith.extui %lt3A_223 : i1 to i32
      %cond3A_225 = arith.constant 0 : i32
      %cond3A_226 = arith.cmpi ne, %convert_element_type3A_224, %cond3A_225 : i32
      %cond3A_227:2 = scf.if %cond3A_226 -> (vector<16xf32>, vector<16xf32>) {
        %dma_wait3A_228 = arith.constant 0 : i32
        %dma_wait3A_229 = arith.constant 1 : i32
        %dma_wait3A_230 = arith.constant 0 : i32
        %dma_wait3A_231 = tpu.memref_slice %arg11[%dma_wait3A_229, %dma_wait3A_230] : memref<2x1040xf32, #tpu.memory_space<vmem>> -> memref<1x1024xf32, #tpu.memory_space<vmem>>
        %dma_wait3A_232 = tpu.memref_squeeze %dma_wait3A_231 : memref<1x1024xf32, #tpu.memory_space<vmem>> -> memref<1024xf32, #tpu.memory_space<vmem>>
        %dma_wait3A_233 = arith.constant 0 : i32
        %dma_wait3A_234 = tpu.memref_slice %arg2[%select_n3A, %dma_wait3A_228, %dma_wait3A_233] : memref<8x4096x1024xf32, #tpu.memory_space<hbm>> -> memref<1x1x1024xf32, #tpu.memory_space<hbm>>
        %dma_wait3A_235 = tpu.memref_squeeze %dma_wait3A_234 : memref<1x1x1024xf32, #tpu.memory_space<hbm>> -> memref<1024xf32, #tpu.memory_space<hbm>>
        %dma_wait3A_236 = arith.constant 0 : i32
        %dma_wait3A_237 = tpu.memref_slice %arg11[%dma_wait3A_229, %dma_wait3A_236] : memref<2x1040xf32, #tpu.memory_space<vmem>> -> memref<1x1024xf32, #tpu.memory_space<vmem>>
        %dma_wait3A_238 = tpu.memref_squeeze %dma_wait3A_237 : memref<1x1024xf32, #tpu.memory_space<vmem>> -> memref<1024xf32, #tpu.memory_space<vmem>>
        %dma_wait3A_239 = arith.constant 0 : i32
        %dma_wait3A_240 = tpu.memref_slice %arg2[%select_n3A, %dma_wait3A_228, %dma_wait3A_239] : memref<8x4096x1024xf32, #tpu.memory_space<hbm>> -> memref<1x1x1024xf32, #tpu.memory_space<hbm>>
        %dma_wait3A_241 = tpu.memref_squeeze %dma_wait3A_240 : memref<1x1x1024xf32, #tpu.memory_space<hbm>> -> memref<1024xf32, #tpu.memory_space<hbm>>
        tpu.wait_dma2 semaphore(%arg18 : memref<!tpu.dma_semaphore, #tpu.memory_space<semaphore_mem>>) src(%dma_wait3A_241 : memref<1024xf32, #tpu.memory_space<hbm>>) dst(%dma_wait3A_238 : memref<1024xf32, #tpu.memory_space<vmem>>)
        %add3A_242 = arith.constant 1 : i32
        %add3A_243 = arith.addi %add3A_172, %add3A_242 : i32
        %lt3A_244 = arith.cmpi slt, %add3A_243, %scan3A_98 : i32
        %convert_element_type3A_245 = arith.extui %lt3A_244 : i1 to i32
        %cond3A_246 = arith.constant 0 : i32
        %cond3A_247 = arith.cmpi ne, %convert_element_type3A_245, %cond3A_246 : i32
        scf.if %cond3A_247 {
          %add3A_283 = arith.constant 1 : i32
          %add3A_284 = arith.addi %add3A_172, %add3A_283 : i32
          %get3A_285 = arith.index_cast %add3A_284 : i32 to index
          %get3A_286 = tpu.vector_load %arg10[%get3A_285] {strides = array<i32>} : memref<1040xi32, #tpu.memory_space<vmem>>, vector<16xi32>,
          %slice3A_287 = vector.extract_strided_slice %get3A_286 {offsets = [0], sizes = [1], strides = [1]} : vector<16xi32> to vector<1xi32>
          %squeeze3A_288 = vector.extract %slice3A_287[0] : i32 from vector<1xi32>
          %add3A_289 = arith.addi %mul3A_32, %squeeze3A_288 : i32
          %dma_start3A_290 = arith.constant 0 : i32
          %dma_start3A_291 = arith.constant 0 : i32
          %dma_start3A_292 = tpu.memref_slice %arg11[%dma_start3A_290, %dma_start3A_291] : memref<2x1040xf32, #tpu.memory_space<vmem>> -> memref<1x1024xf32, #tpu.memory_space<vmem>>
          %dma_start3A_293 = tpu.memref_squeeze %dma_start3A_292 : memref<1x1024xf32, #tpu.memory_space<vmem>> -> memref<1024xf32, #tpu.memory_space<vmem>>
          %dma_start3A_294 = arith.constant 0 : i32
          %dma_start3A_295 = tpu.memref_slice %arg2[%select_n3A, %add3A_289, %dma_start3A_294] : memref<8x4096x1024xf32, #tpu.memory_space<hbm>> -> memref<1x1x1024xf32, #tpu.memory_space<hbm>>
          %dma_start3A_296 = tpu.memref_squeeze %dma_start3A_295 : memref<1x1x1024xf32, #tpu.memory_space<hbm>> -> memref<1024xf32, #tpu.memory_space<hbm>>
          %dma_start3A_297 = arith.constant 0 : i32
          %dma_start3A_298 = tpu.memref_slice %arg11[%dma_start3A_290, %dma_start3A_297] : memref<2x1040xf32, #tpu.memory_space<vmem>> -> memref<1x1024xf32, #tpu.memory_space<vmem>>
          %dma_start3A_299 = tpu.memref_squeeze %dma_start3A_298 : memref<1x1024xf32, #tpu.memory_space<vmem>> -> memref<1024xf32, #tpu.memory_space<vmem>>
          %dma_start3A_300 = arith.constant 0 : i32
          %dma_start3A_301 = tpu.memref_slice %arg2[%select_n3A, %add3A_289, %dma_start3A_300] : memref<8x4096x1024xf32, #tpu.memory_space<hbm>> -> memref<1x1x1024xf32, #tpu.memory_space<hbm>>
          %dma_start3A_302 = tpu.memref_squeeze %dma_start3A_301 : memref<1x1x1024xf32, #tpu.memory_space<hbm>> -> memref<1024xf32, #tpu.memory_space<hbm>>
          tpu.enqueue_dma source(%dma_start3A_302 : memref<1024xf32, #tpu.memory_space<hbm>>) target(%dma_start3A_299 : memref<1024xf32, #tpu.memory_space<vmem>>) target_semaphore(%arg17 : memref<!tpu.dma_semaphore, #tpu.memory_space<semaphore_mem>>)
        } else {
        }
        %get3A_248 = arith.index_cast %add3A_172 : i32 to index
        %get3A_249 = tpu.vector_load %arg10[%get3A_248] {strides = array<i32>} : memref<1040xi32, #tpu.memory_space<vmem>>, vector<16xi32>,
        %slice3A_250 = vector.extract_strided_slice %get3A_249 {offsets = [0], sizes = [1], strides = [1]} : vector<16xi32> to vector<1xi32>
        %squeeze3A_251 = vector.extract %slice3A_250[0] : i32 from vector<1xi32>
        %get3A_252 = arith.index_cast %squeeze3A_251 : i32 to index
        %get3A_253 = tpu.vector_load %arg9[%get3A_252] {strides = array<i32>} : memref<1040xi32, #tpu.memory_space<vmem>>, vector<16xi32>,
        %slice3A_254 = vector.extract_strided_slice %get3A_253 {offsets = [0], sizes = [1], strides = [1]} : vector<16xi32> to vector<1xi32>
        %squeeze3A_255 = vector.extract %slice3A_254[0] : i32 from vector<1xi32>
        %get3A_256 = arith.constant 1 : i32
        %get3A_257 = arith.index_cast %get3A_256 : i32 to index
        %get3A_258 = arith.index_cast %squeeze3A_255 : i32 to index
        %get3A_259 = tpu.vector_load %arg11[%get3A_257, %get3A_258] {strides = array<i32>} : memref<2x1040xf32, #tpu.memory_space<vmem>>, vector<16xf32>,
        %slice3A_260 = vector.extract_strided_slice %get3A_259 {offsets = [0], sizes = [1], strides = [1]} : vector<16xf32> to vector<1xf32>
        %squeeze3A_261 = vector.extract %slice3A_260[0] : f32 from vector<1xf32>
        %scan3A_262 = arith.constant 0 : i32
        %scan3A_263 = arith.constant 16 : i32
        %scan3A_264 = arith.addi %scan3A_262, %scan3A_263 : i32
        %scan3A_265 = arith.constant 1 : i32
        %scan3A_266:4 = scf.for %scan3A_283 = %scan3A_262 to %scan3A_264 step %scan3A_265 iter_args(%scan3A_284 = %broadcast_in_dim3A_58, %scan3A_285 = %broadcast_in_dim3A_58, %scan3A_286 = %broadcast_in_dim3A_58, %scan3A_287 = %broadcast_in_dim3A_58) -> (vector<16xf32>, vector<16xf32>, vector<16xf32>, vector<16xf32>)  : i32 {
          %mul3A_288 = arith.constant 64 : i32
          %mul3A_289 = arith.muli %scan3A_283, %mul3A_288 : i32
          %add3A_290 = arith.constant 0 : i32
          %add3A_291 = arith.addi %mul3A_289, %add3A_290 : i32
          %get3A_292 = arith.constant 1 : i32
          %get3A_293 = arith.index_cast %get3A_292 : i32 to index
          %get3A_294 = arith.index_cast %add3A_291 : i32 to index
          %get3A_295 = tpu.vector_load %arg11[%get3A_293, %get3A_294] {strides = array<i32>} : memref<2x1040xf32, #tpu.memory_space<vmem>>, vector<16xf32>,
          %exp3A_296 = math.exp %get3A_295 : vector<16xf32>
          %add3A_297 = arith.addf %scan3A_284, %exp3A_296 : vector<16xf32>
          %add3A_298 = arith.constant 16 : i32
          %add3A_299 = arith.addi %mul3A_289, %add3A_298 : i32
          %get3A_300 = arith.constant 1 : i32
          %get3A_301 = arith.index_cast %get3A_300 : i32 to index
          %get3A_302 = arith.index_cast %add3A_299 : i32 to index
          %get3A_303 = tpu.vector_load %arg11[%get3A_301, %get3A_302] {strides = array<i32>} : memref<2x1040xf32, #tpu.memory_space<vmem>>, vector<16xf32>,
          %exp3A_304 = math.exp %get3A_303 : vector<16xf32>
          %add3A_305 = arith.addf %scan3A_285, %exp3A_304 : vector<16xf32>
          %add3A_306 = arith.constant 32 : i32
          %add3A_307 = arith.addi %mul3A_289, %add3A_306 : i32
          %get3A_308 = arith.constant 1 : i32
          %get3A_309 = arith.index_cast %get3A_308 : i32 to index
          %get3A_310 = arith.index_cast %add3A_307 : i32 to index
          %get3A_311 = tpu.vector_load %arg11[%get3A_309, %get3A_310] {strides = array<i32>} : memref<2x1040xf32, #tpu.memory_space<vmem>>, vector<16xf32>,
          %exp3A_312 = math.exp %get3A_311 : vector<16xf32>
          %add3A_313 = arith.addf %scan3A_286, %exp3A_312 : vector<16xf32>
          %add3A_314 = arith.constant 48 : i32
          %add3A_315 = arith.addi %mul3A_289, %add3A_314 : i32
          %get3A_316 = arith.constant 1 : i32
          %get3A_317 = arith.index_cast %get3A_316 : i32 to index
          %get3A_318 = arith.index_cast %add3A_315 : i32 to index
          %get3A_319 = tpu.vector_load %arg11[%get3A_317, %get3A_318] {strides = array<i32>} : memref<2x1040xf32, #tpu.memory_space<vmem>>, vector<16xf32>,
          %exp3A_320 = math.exp %get3A_319 : vector<16xf32>
          %add3A_321 = arith.addf %scan3A_287, %exp3A_320 : vector<16xf32>
          scf.yield %add3A_297, %add3A_305, %add3A_313, %add3A_321 : vector<16xf32>, vector<16xf32>, vector<16xf32>, vector<16xf32>
        }
        %scan3A_267 = arith.constant 16 : i32
        %add3A_268 = arith.addf %scan3A_266#0, %scan3A_266#1 : vector<16xf32>
        %add3A_269 = arith.addf %scan3A_266#2, %scan3A_266#3 : vector<16xf32>
        %add3A_270 = arith.addf %add3A_268, %add3A_269 : vector<16xf32>
        %get3A_271 = arith.constant 1 : i32
        %get3A_272 = arith.index_cast %get3A_271 : i32 to index
        %get3A_273 = arith.constant 1008 : index
        %get3A_274 = tpu.vector_load %arg11[%get3A_272, %get3A_273] {strides = array<i32>} : memref<2x1040xf32, #tpu.memory_space<vmem>>, vector<16xf32>,
        %exp3A_275 = math.exp %get3A_274 : vector<16xf32>
        %jit3A_276 = arith.constant 0.000000e+00 : f32
        %broadcast_in_dim3A_277 = vector.broadcast %jit3A_276 : f32 to vector<16xf32>
        %select_n3A_278 = arith.select %eq3A_68, %exp3A_275, %broadcast_in_dim3A_277 : vector<16xi1>, vector<16xf32>
        %sub3A_279 = arith.subf %add3A_270, %select_n3A_278 : vector<16xf32>
        %add3A_280 = arith.addf %add3A_220, %sub3A_279 : vector<16xf32>
        %broadcast_in_dim3A_281 = vector.broadcast %squeeze3A_261 : f32 to vector<16xf32>
        %add3A_282 = arith.addf %add3A_222, %broadcast_in_dim3A_281 : vector<16xf32>
        scf.yield %add3A_280, %add3A_282 : vector<16xf32>, vector<16xf32>
      } else {
        scf.yield %add3A_220, %add3A_222 : vector<16xf32>, vector<16xf32>
      }
      scf.yield %cond3A_227#0, %cond3A_227#1 : vector<16xf32>, vector<16xf32>
    }
    tpu.wait_dma2 semaphore(%arg15 : memref<!tpu.dma_semaphore, #tpu.memory_space<semaphore_mem>>) src(%arg6 : memref<16xf32, #tpu.memory_space<hbm>>) dst(%arg13 : memref<16xf32, #tpu.memory_space<vmem>>)
    %broadcast_in_dim3A_152 = vector.broadcast %scan3A_98 : i32 to vector<16xi32>
    %convert_element_type3A_153 = arith.sitofp %broadcast_in_dim3A_152 : vector<16xi32> to vector<16xf32>
    %get3A = arith.constant 0 : index
    %get3A_154 = tpu.vector_load %arg13[%get3A] {strides = array<i32>} : memref<16xf32, #tpu.memory_space<vmem>>, vector<16xf32>,
    %mul3A_155 = arith.mulf %get3A_154, %convert_element_type3A_153 : vector<16xf32>
    %get3A_156 = arith.constant 0 : index
    %get3A_157 = tpu.vector_load %arg12[%get3A_156] {strides = array<i32>} : memref<16xf32, #tpu.memory_space<vmem>>, vector<16xf32>,
    %mul3A_158 = arith.mulf %get3A_157, %while3A_151#1 : vector<16xf32>
    %sub3A_159 = arith.subf %mul3A_155, %mul3A_158 : vector<16xf32>
    %jit3A_160 = arith.constant 0.000000e+00 : f32
    %broadcast_in_dim3A_161 = vector.broadcast %jit3A_160 : f32 to vector<16xf32>
    %select_n3A_162 = arith.select %eq3A_70, %sub3A_159, %broadcast_in_dim3A_161 : vector<16xi1>, vector<16xf32>
    %add3A_163 = arith.addf %while3A_151#0, %select_n3A_162 : vector<16xf32>
    %swap3A_164 = arith.constant 0 : index
    %swap3A_165 = tpu.vector_load %arg14[%swap3A_164] {strides = array<i32>} : memref<16xf32, #tpu.memory_space<vmem>>, vector<16xf32>,
    tpu.vector_store %arg14[%swap3A_164], %add3A_163 {strides = array<i32>} : memref<16xf32, #tpu.memory_space<vmem>>, vector<16xf32>,
    "tpu.region"() ({
      %run_scoped3A = tpu.sem_alloc : memref<!tpu.dma_semaphore, #tpu.memory_space<semaphore_mem>>
      %dma_start3A_166 = arith.constant 0 : i32
      %dma_start3A_167 = tpu.memref_slice %arg7[%add3A, %dma_start3A_166] : memref<32x16xf32, #tpu.memory_space<hbm>> -> memref<1x16xf32, #tpu.memory_space<hbm>>
      %dma_start3A_168 = tpu.memref_squeeze %dma_start3A_167 : memref<1x16xf32, #tpu.memory_space<hbm>> -> memref<16xf32, #tpu.memory_space<hbm>>
      %dma_start3A_169 = arith.constant 0 : i32
      %dma_start3A_170 = tpu.memref_slice %arg7[%add3A, %dma_start3A_169] : memref<32x16xf32, #tpu.memory_space<hbm>> -> memref<1x16xf32, #tpu.memory_space<hbm>>
      %dma_start3A_171 = tpu.memref_squeeze %dma_start3A_170 : memref<1x16xf32, #tpu.memory_space<hbm>> -> memref<16xf32, #tpu.memory_space<hbm>>
      tpu.enqueue_dma source(%arg14 : memref<16xf32, #tpu.memory_space<vmem>>) target(%dma_start3A_171 : memref<16xf32, #tpu.memory_space<hbm>>) target_semaphore(%run_scoped3A : memref<!tpu.dma_semaphore, #tpu.memory_space<semaphore_mem>>)
      %dma_wait3A_172 = arith.constant 0 : i32
      %dma_wait3A_173 = tpu.memref_slice %arg7[%add3A, %dma_wait3A_172] : memref<32x16xf32, #tpu.memory_space<hbm>> -> memref<1x16xf32, #tpu.memory_space<hbm>>
      %dma_wait3A_174 = tpu.memref_squeeze %dma_wait3A_173 : memref<1x16xf32, #tpu.memory_space<hbm>> -> memref<16xf32, #tpu.memory_space<hbm>>
      %dma_wait3A_175 = arith.constant 0 : i32
      %dma_wait3A_176 = tpu.memref_slice %arg7[%add3A, %dma_wait3A_175] : memref<32x16xf32, #tpu.memory_space<hbm>> -> memref<1x16xf32, #tpu.memory_space<hbm>>
      %dma_wait3A_177 = tpu.memref_squeeze %dma_wait3A_176 : memref<1x16xf32, #tpu.memory_space<hbm>> -> memref<16xf32, #tpu.memory_space<hbm>>
      tpu.wait_dma2 semaphore(%run_scoped3A : memref<!tpu.dma_semaphore, #tpu.memory_space<semaphore_mem>>) src(%arg14 : memref<16xf32, #tpu.memory_space<vmem>>) dst(%dma_wait3A_177 : memref<16xf32, #tpu.memory_space<hbm>>)
      tpu.yield
    }) : () -> ()
    return
  }
}

</mosaic_0001>

<sc_bundles>
// kernel: kernel.3.cloned.1.call-start
scs
__scs_entry_jumppad:
0x0: {  	(pc) =	sbr.rel $0x88, $3  }
0x1: {  	(tag) =	ssettag $0x0;
	lr =	simm.s32 $0x1  }
0x2: {  	[smem:$0x3F9D] =	sst lr;
	_ =	strace $0xD0000000  }
0x3: {  	_ = 	snop  }
0x4: {  	_ = 	snop  }
0x5: {  	_ = 	snop  }
0x6: {  	_ = 	snop  }
0x7: {  	_ = 	snop  }
__scs_overlays_trampoline_lowered:
0x8: {  	[smem:$0x3FAC] =	sst s0  }
0x9: {  	[smem:$0x3FAD] =	sst s1  }
0xa: {  	[smem:$0x3FAE] =	sst s2  }
0xb: {  	[smem:$0x3FAF] =	sst s3  }
0xc: {  	[smem:$0x3FB0] =	sst s4  }
0xd: {  	[smem:$0x3FB1] =	sst s5  }
0xe: {  	[smem:$0x3FB2] =	sst s6  }
0xf: {  	[smem:$0x3FB3] =	sst s7  }
0x10: {  	[smem:$0x3FB4] =	sst s8  }
0x11: {  	[smem:$0x3FB5] =	sst s9;
	s0 =	simm.s32 @!p0 $0x0  }
0x12: {  	s1 =	sld [smem:$0x3F9B];
	s0 =	simm.s32 @p0 $0x1  }
0x13: {  	[smem:$0x3FB6] =	sst s0;
	s0 =	simm.s32 @!p1 $0x0  }
0x14: {  	s2 =	sld [smem:$0x3F9A];
	s0 =	simm.s32 @p1 $0x1  }
0x15: {  	[smem:$0x3FB7] =	sst s0;
	s0 =	simm.s32 @!p2 $0x0  }
0x16: {  	s3 =	sld [smem:$0x3FDB];
	s0 =	simm.s32 @p2 $0x1  }
0x17: {  	s4 =	simm.s32 $0x1BF5;
	[smem:$0x3FB9] =	sst s0  }
0x18: {  	s0 =	sld [smem:$0x3F9C];
	_ =	swait.ge [sflag:s4], $0x0  }
0x19: {  	s7 =	sld [smem:$0x3F9D]  }
0x1a: {  	s8 =	sadd.s32 $0xFFFFE003, lr  }
0x1b: {  	s9 =	sadd.s32 $0xFFFFFEF7, lr;
	s5 =	simm.s32 $0xFFFFFFFF;
	p2 =	slt.u32 s8, $0xFFFFF086  }
0x1c: {  	p1 =	slt.u32 s9, $0xF7A;
	s5 =	simm.s32 @!p2 $0x0  }
0x1d: {  	s5 =	simm.s32 @p1 $0x1;
	p0 =	seq.s32 s7, s2  }
0x1e: {  	s7 =	smul.u32 @!p0 $0xF7A, s2;
	p2 =	seq.s32 @!p0 s5, $0x0  }
0x1f: {  	s9 =	smul.u32 $0xF7A, s1;
	s8 =	simm.s32 @!p0 $0x1BF5;
	p2 =	por !p2, p0  }
0x20: {  	[sflag:s8] =	ssyncset.s32 @!p0 $0xFFFFF086;
	s6 =	sadd.s32 @!p0 s3, s7;
	s7 =	simm.s32 @!p0 $0x108  }
0x21: {  	s3 =	sadd.s32 s3, s9;
	s6 =	sadd.s32 @!p0 $0x88, s6;
	s7 =	simm.s32 @p2 $0x1082  }
0x22: {  	[simem:s7], [sflag:s8] =	dma.local @!p0 [hbm:s6], $0xF7A  }
0x23: {  	s9 =	sor.u32 $0xD0000000, s2;
	s6 =	simm.s32 $0x108;
	_ =	swait.ge @!p0 [sflag:s8], $0x0  }
0x24: {  	s3 =	sadd.s32 $0x88, s3;
	s6 =	simm.s32 @!p1 $0x1082;
	[sflag:s4] =	ssyncset.s32 $0xFFFFF086  }
0x25: {  	[simem:s6], [sflag:s4] =	dma.local [hbm:s3], $0xF7A  }
0x26: {  	[smem:$0x3F9D] =	sst s1;
	(tag) =	ssettag s2;
	_ =	strace s9  }
0x27: {  	s1 =	sld [smem:$0x3FAD]  }
0x28: {  	s2 =	sld [smem:$0x3FAE]  }
0x29: {  	s4 =	sld [smem:$0x3FB0]  }
0x2a: {  	p0 =	seq.s32 s5, $0x0;
	s5 =	sld [smem:$0x3FB1]  }
0x2b: {  	s6 =	sld [smem:$0x3FB2]  }
0x2c: {  	s7 =	sld [smem:$0x3FB3]  }
0x2d: {  	s3 =	simm.s32 $0x108;
	s8 =	sld [smem:$0x3FB4]  }
0x2e: {  	s3 =	simm.s32 @!p0 $0x1082;
	s9 =	sld [smem:$0x3FB5]  }
0x2f: {  	lr =	sadd.s32 s0, s3;
	s0 =	sld [smem:$0x3FAC]  }
0x30: {  	s3 =	sld [smem:$0x3FAF]  }
0x31: {  	[smem:$0x3FB8] =	sst s10  }
0x32: {  	s10 =	sld [smem:$0x3FB6];
	_ =	sdelay $0x3  }
0x33: {  	p0 =	seq.s32 s10, $0x1;
	s10 =	sld [smem:$0x3FB8];
	_ =	sdelay $0x3  }
0x34: {  	[smem:$0x3FB8] =	sst s10  }
0x35: {  	s10 =	sld [smem:$0x3FB7];
	_ =	sdelay $0x3  }
0x36: {  	p1 =	seq.s32 s10, $0x1;
	s10 =	sld [smem:$0x3FB8];
	_ =	sdelay $0x3  }
0x37: {  	[smem:$0x3FB8] =	sst s10  }
0x38: {  	s10 =	sld [smem:$0x3FB9]  }
0x39: {  	_ = 	snop;
	(pc) =	sbr.ind lr, $3  }
0x3a: {  	_ = 	snop  }
0x3b: {  	_ = 	snop  }
0x3c: {  	p2 =	seq.s32 s10, $0x1;
	s10 =	sld [smem:$0x3FB8]  }
0x3d: {  	_ =	shalt  }
0x3e: {  	_ =	shalt  }
0x3f: {  	_ =	shalt  }
0x40: {  	_ =	shalt  }
0x41: {  	_ =	shalt  }
0x42: {  	_ =	shalt  }
0x43: {  	_ =	shalt  }
0x44: {  	_ =	shalt  }
0x45: {  	_ =	shalt  }
0x46: {  	_ =	shalt  }
0x47: {  	_ =	shalt  }
0x48: {  	_ =	shalt  }
0x49: {  	_ =	shalt  }
0x4a: {  	_ =	shalt  }
0x4b: {  	_ =	shalt  }
0x4c: {  	_ =	shalt  }
0x4d: {  	_ =	shalt  }
0x4e: {  	_ =	shalt  }
0x4f: {  	_ =	shalt  }
0x50: {  	_ =	shalt  }
0x51: {  	_ =	shalt  }
0x52: {  	_ =	shalt  }
0x53: {  	_ =	shalt  }
0x54: {  	_ =	shalt  }
0x55: {  	_ =	shalt  }
0x56: {  	_ =	shalt  }
0x57: {  	_ =	shalt  }
0x58: {  	_ =	shalt  }
0x59: {  	_ =	shalt  }
0x5a: {  	_ =	shalt  }
0x5b: {  	_ =	shalt  }
0x5c: {  	_ =	shalt  }
0x5d: {  	_ =	shalt  }
0x5e: {  	_ =	shalt  }
0x5f: {  	_ =	shalt  }
0x60: {  	_ =	shalt  }
0x61: {  	_ =	shalt  }
0x62: {  	_ =	shalt  }
0x63: {  	_ =	shalt  }
0x64: {  	_ =	shalt  }
0x65: {  	_ =	shalt  }
0x66: {  	_ =	shalt  }
0x67: {  	_ =	shalt  }
0x68: {  	_ =	shalt  }
0x69: {  	_ =	shalt  }
0x6a: {  	_ =	shalt  }
0x6b: {  	_ =	shalt  }
0x6c: {  	_ =	shalt  }
0x6d: {  	_ =	shalt  }
0x6e: {  	_ =	shalt  }
0x6f: {  	_ =	shalt  }
0x70: {  	_ =	shalt  }
0x71: {  	_ =	shalt  }
0x72: {  	_ =	shalt  }
0x73: {  	_ =	shalt  }
0x74: {  	_ =	shalt  }
0x75: {  	_ =	shalt  }
0x76: {  	_ =	shalt  }
0x77: {  	_ =	shalt  }
0x78: {  	_ =	shalt  }
0x79: {  	_ =	shalt  }
0x7a: {  	_ =	shalt  }
0x7b: {  	_ =	shalt  }
0x7c: {  	_ =	shalt  }
0x7d: {  	_ =	shalt  }
0x7e: {  	_ =	shalt  }
0x7f: {  	_ =	shalt  }
0x80: {  	_ =	shalt  }
0x81: {  	_ =	shalt  }
0x82: {  	_ =	shalt  }
0x83: {  	_ =	shalt  }
0x84: {  	_ =	shalt  }
0x85: {  	_ =	shalt  }
0x86: {  	_ =	shalt  }
0x87: {  	_ =	shalt  }
.Lfunc_end0:
.L_simem_size_0:
called_computation_lowered:
.L_overlay_start_0:
0x88: {  	s2 =	sld [smem:$0x3FD9]  }
0x89: {  	s3 =	sld [smem:$0x3FFE];
	_ =	sdelay $0x1  }
0x8a: {  	s1 =	srdreg.scid  }
0x8b: {  	s0 =	sand.u32 $0x1, s1  }
0x8c: {  	s17 =	sshll.u32 s0, $0xA;
	s2 =	sadd.s32 s3, s2  }
0x8d: {  	s2 =	sadd.s32 s2, s17  }
0x8e: {  	[smem:$0x3FC4] =	sst s2  }
0x8f: {  	_ = 	snop  }
0x90: {  	s2 =	sld [smem:$0x3FC9]  }
0x91: {  	s18 =	sld [smem:$0x3FC7]  }
0x92: {  	s4 =	sld [smem:$0x3FC6]  }
0x93: {  	s5 =	sld [smem:$0x3FD0];
	(tm) =	ssettm $0x1  }
0x94: {  	s6 =	sld [smem:$0x3FFB];
	_ =	sdelay $0x3  }
0x95: {  	_ =	strace s6  }
0x96: {  	s6 =	sld [smem:$0x3FFC];
	_ =	sdelay $0x3  }
0x97: {  	_ =	strace s6  }
0x98: {  	s6 =	sld [smem:$0x3FFD];
	_ =	sdelay $0x3  }
0x99: {  	_ =	strace s6  }
0x9a: {  	_ =	strace $0x8FFFFFFF  }
0x9b: {  	s19 =	sld [smem:$0x3FDB];
	_ =	sdelay $0x1  }
0x9c: {  	s7 =	simm.s32 $_scs_section_size  }
0x9d: {  	s8 =	simm.s32 $_size__tile_overlayer_lowered;
	s9 =	simm.s32 $_tile_overlayer_lowered  }
0x9e: {  	s22 =	simm.s32 $0x1BFF;
	s21 =	sshll.u32 s9, $0x1;
	s6 =	sadd.s32 s7, s19  }
0x9f: {  	s10 =	simm.s32 $0x0;
	s20 =	sshll.u32 s8, $0x1;
	s8 =	sadd.s32 s21, s6  }
0xa0: {  	[timem:s10], [sflag:s22] =	dma.local [hbm:s8], s20  }
0xa1: {  	_ =	swait.ge [sflag:s22], s20  }
0xa2: {  	s7 =	ssub.s32 $0x0, s20;
	[sflag:s22] =	ssyncset.done $0x0  }
0xa3: {  	[sflag:s22] =	ssyncadd.s32 s7;
	_ =	sdelay $0x1  }
0xa4: {  	s23 =	simm.s32 $0x1B8B  }
0xa5: {  	_ =	swait.ge [sflag:s23], $0x1  }
0xa6: {  	[sflag:s23] =	ssyncset.done $0x0  }
0xa7: {  	s25 =	simm.s32 $0x1B8E;
	s24 =	sld [smem:$0x3FFE];
	[sflag:s23] =	ssyncadd.s32 $0xFFFFFFFF  }
0xa8: {  	s26 =	simm.s32 $execute0_lowered;
	[smem:$0x3FD2] =	sst s25  }
0xa9: {  	s8 =	sshll.u32 s26, $0x1;
	_ =	strace $0x80000046;
	[dreg:$0x1] =	wrdreg $0xFFFFFFFF  }
0xaa: {  	s28 =	simm.s32 $_size_execute0_lowered;
	s6 =	sadd.s32 s6, s8;
	[dreg:$0x0] =	wrdreg $0x0  }
0xab: {  	s8 =	sshll.u32 s28, $0x1;
	[dreg:$0x2] =	wrdreg s6  }
0xac: {  	[dreg:$0x3] =	wrdreg s8  }
0xad: {  	[dreg:$0x4] =	wrdreg $0xC0  }
0xae: {  	_ =	task [dreg:s10], $0x5FFFF  }
0xaf: {  	[dreg:$0x1] =	wrdreg $0xFFFFFFFF  }
0xb0: {  	[dreg:$0x0] =	wrdreg $0x60  }
0xb1: {  	[dreg:$0x2] =	wrdreg s2  }
0xb2: {  	[dreg:$0x3] =	wrdreg s18  }
0xb3: {  	[dreg:$0x4] =	wrdreg s4  }
0xb4: {  	[dreg:$0x5] =	wrdreg s5  }
0xb5: {  	[dreg:$0x6] =	wrdreg s24  }
0xb6: {  	[dreg:$0x7] =	wrdreg $0x9  }
0xb7: {  	_ =	task.clear_ibuf [dreg:s10], $0x8FFFF;
	_ =	strace $0x90000046  }
0xb8: {  	s29 =	simm.s32 $0x9;
	_ =	strace $0x80000048  }
0xb9: {  	_ =	swait.ge [sflag:s29], $0x1  }
0xba: {  	[sflag:s29] =	ssyncadd.s32 $0xFFFFFFFF  }
0xbb: {  	_ =	strace $0x90000048  }
0xbc: {  	_ =	sfence  }
0xbd: {  	s30 =	sld [smem:$0x0];
	_ =	sdelay $0x2  }
0xbe: {  	s31 =	sshll.u32 s1, $0xD;
	s1 =	sshrl.u32 s1, $0x2  }
0xbf: {  	s3 =	sand.u32 $0x4000, s31;
	s1 =	sadd.s32 s1, s30  }
0xc0: {  	s0 =	sor.u32 s3, s0;
	s1 =	sshll.u32 s1, $0x11  }
0xc1: {  	s0 =	sor.u32 s1, s0  }
0xc2: {  	s0 =	sadd.s32 $0x8F2B, s0  }
0xc3: {  	[sflag:s0] =	ssyncadd.remote.s32 $0x1  }
0xc4: {  	_ =	sfence.sel $0xFFFF  }
0xc5: {  	[dreg:$0x0] =	wrdreg $0xFFFFFFFF;
	(pc) =	sbr.abs _section_cstart, $3  }
0xc6: {  	[dreg:$0x1] =	wrdreg $0xFFFFFFFF  }
0xc7: {  	_ =	task.clear_ibuf [dreg:s10], $0x2FFFF;
	_ =	strace $0x9FFFFFFF  }
0xc8: {  	(tm) =	ssettm $0x7FFFFFFF  }
0xc9: {  	_ =	shalt  }
tec
execute0_lowered:
.L_overlay_start_1:
0x0: {  	(tag) =	ssettag $0x1  }
0x1: {  	s0 =	rddreg [dreg:$0x0]  }
0x2: {  	s1 =	rddreg [dreg:$0x1]  }
0x3: {  	s2 =	rddreg [dreg:$0x2]  }
0x4: {  	s3 =	srdreg.scid;
	s6 =	stileid.u32  }
0x5: {  	s8 =	rddreg [dreg:$0x4];
	s4 =	simm.s32 $0x0;
	s13 =	simm.s32 $0x80  }
0x6: {  	s14 =	simm.s32 $0x400;
	s18 =	simm.s32 $0x1;
	s19 =	simm.s32 $0x1700  }
0x7: {  	s20 =	simm.s32 $0x2;
	s21 =	simm.s32 $0x5;
	s22 =	simm.s32 $0x4  }
0x8: {  	s23 =	simm.s32 $0x3;
	s24 =	simm.s32 $0x1780;
	s25 =	simm.s32 $0x6  }
0x9: {  	s26 =	simm.s32 $0x0;
	s3 =	sand.u32 $0x1, s3;
	s5 =	sshll.u32 s6, $0x1  }
0xa: {  	[smem:$0x7FF] =	sst s4;
	s15 =	sshrl.u32 s6, $0x1;
	s6 =	sadd.s32 $0x200, s8  }
0xb: {  	s7 =	sor.u32 s3, s5;
	_ =	strace $0x80000047;
	s9 =	sshll.u32 s15, $0x4  }
.Ltmp0:
0xc: {  	s3 =	ssub.s32 $0x2, s3;
	s5 =	sshll.u32 s7, $0xA;
	(pc) =	sbr.rel .LBB2_1-.Ltmp0, $4  }
0xd: {  	s10 =	sshll.u32 s7, $0x4;
	s11 =	sshrl.u32 s3, $0x1;
	s5 =	sand.u32 $0xC00, s5  }
0xe: {  	s31 =	sadd.s32 s10, s8;
	s3 =	ssub.s32 s3, s11;
	s9 =	sor.u32 s9, s5  }
0xf: {  	v0 =	vlaneseq.u32;
	v2 =	vmov s15;
	s10 =	sshll.u32 s15, $0x16;
	s11 =	sadd.s32 $0x400, s31;
	s7 =	sadd.s32 s1, s9  }
0x10: {  	v1 =	vimm.f32 $0.0e+00;
	vm0 =	vmmov $0x7fff;
	vm1 =	veq.s32 v2, v0;
	s12 =	smax.u32 s3, $0x1;
	s9 =	sadd.s32 s2, s9;
	s8 =	sadd.s32 $0x200, s7  }
.LBB2_14:
0x11: {  	_ =	swait.ge [sflag:s18], $0x80  }
0x12: {  	[sflag:s18] =	ssyncset.done $0x0  }
0x13: {  	[sflag:s18] =	ssyncadd.s32 $0xFFFFFF80  }
0x14: {  	v4 =	vld [tilespmem:$0x1700]  }
0x15: {  	v5 =	vmov s28;
	v6 =	vld [tilespmem:$0x1680]  }
0x16: {  	v5 =	vcvt.s32.f32 v5;
	_ =	sdelay $0x1  }
0x17: {  	v5 =	vbroadcast v5, $0x0;
	_ =	sdelay $0x1  }
0x18: {  	v4 =	vmul.f32 v4, v5;
	v3 =	vmul.f32 v6, v3;
	_ =	sdelay $0x1  }
0x19: {  	v3 =	vsub.f32 v4, v3;
	_ =	sdelay $0x1  }
0x1a: {  	v3 =	vnsel vm1, $0x0, v3  }
0x1b: {  	s26 =	sadd.s32 $0x1, s26;
	v2 =	vadd.f32 v3, v2  }
0x1c: {  	p0 =	sne.s32 s26, s12  }
.Ltmp1:
0x1d: {  	[tilespmem:$0x1780] =	vst v2;
	(pc) =	sbr.rel @!p0 .LBB2_15-.Ltmp1, $4  }
0x1e: {  	[hbm4b:s11+s4] =	stream.linear.scatter [tilespmem:s24], [sflag:$0x6], $0x80, $0x38;
	[tilespmem:$0x1800] =	vst v63  }
0x1f: {  	_ =	swait.ge [sflag:s25], $0x80  }
0x20: {  	[sflag:s25] =	ssyncset.done $0x0  }
0x21: {  	[sflag:s25] =	ssyncadd.s32 $0xFFFFFF80  }
.LBB2_1:
0x22: {  	[tilespmem:s4], [sflag:$0x1] =	stream.strided.gather [hbm4b:s7+s13], $0x200, s14, s13, $0x38;
	[tilespmem:$0x1800] =	vst v63  }
0x23: {  	s1 =	simm.s32 $0x200  }
0x24: {  	[tilespmem:s1], [sflag:$0x2] =	stream.strided.gather [hbm4b:s8+s13], $0x200, s14, s13, $0x38;
	[tilespmem:$0x1800] =	vst v63  }
0x25: {  	s16 =	simm.s32 $0x480  }
0x26: {  	[tilespmem:s16], [sflag:$0x5] =	stream.strided.gather [hbm4b:s9+s13], $0x400, s14, s13, $0x38;
	[tilespmem:$0x1800] =	vst v63  }
0x27: {  	s17 =	rddreg [dreg:$0x3];
	s2 =	simm.s32 $0x1680  }
0x28: {  	[tilespmem:s2], [sflag:$0x4] =	stream.linear.gather [hbm4b:s17+s4], $0x80, $0x38;
	[tilespmem:$0x1800] =	vst v63  }
0x29: {  	[tilespmem:$0x1580] =	vst v1  }
0x2a: {  	[tilespmem:$0x1600] =	vst v1  }
0x2b: {  	_ =	swait.ge [sflag:s18], $0x200  }
0x2c: {  	[sflag:s18] =	ssyncset.done $0x0  }
0x2d: {  	s29 =	simm.s32 $0x10;
	[sflag:s18] =	ssyncadd.s32 $0xFFFFFE00  }
0x2e: {  	[tilespmem:s19], [sflag:$0x1] =	stream.linear.gather [hbm4b:s6+s4], $0x80, $0x38;
	[tilespmem:$0x1800] =	vst v63  }
0x2f: {  	v2 =	vld [tilespmem:s29+$0xFFFFFFF0];
	_ =	sdelay $0x4  }
0x30: {  	v3 =	vor.u32 s4, v0;
	vm2 =	veq.s32 v2, $0x3FF  }
0x31: {  	[tilespmem:s4+$0x900] =	vst.msk vm2, v3  }
0x32: {  	v3 =	vmpcnt.ones.xlane vm2;
	v2 =	vld [tilespmem:s29+$0x0];
	_ =	sdelay $0x1  }
0x33: {  	(v2sf) =	vpush v3, $0x0;
	_ =	sdelay $0x2  }
0x34: {  	vm2 =	veq.s32 v2, $0x3FF  }
0x35: {  	v2 =	vmpcnt.ones.xlane vm2;
	_ =	sdelay $0x1  }
0x36: {  	(v2sf) =	vpush v2, $0x0;
	_ =	sdelay $0x8  }
0x37: {  	s30 =	simm.s32 $0x10;
	s31 =	spop (v2sf)  }
0x38: {  	v2 =	vor.u32 s30, v0;
	s3 =	sadd.s32 $0x0, s31  }
0x39: {  	s1 =	simm.s32 $0x30;
	[tilespmem:s3+$0x900] =	vst.msk vm2, v2  }
0x3a: {  	v3 =	vld [tilespmem:s1+$0xFFFFFFF0];
	_ =	sdelay $0x1  }
0x3b: {  	s2 =	simm.s32 $0x20  }
0x3c: {  	s28 =	simm.s32 $0x40;
	v2 =	vor.u32 s2, v0;
	s15 =	spop (v2sf)  }
.LBB2_2:
0x3d: {  	p0 =	sne.s32 s28, $0x1E0  }
0x3e: {  	v4 =	vor.u32 s28, v0;
	vm2 =	veq.s32 v3, $0x3FF;
	s3 =	sadd.s32 s3, s15;
	s15 =	smov.u32 s28;
	s28 =	sadd.s32 $0x20, s28  }
0x3f: {  	[tilespmem:s3+$0x900] =	vst.msk vm2, v2;
	v3 =	vmpcnt.ones.xlane vm2;
	v2 =	vmov v4  }
0x40: {  	v4 =	vld [tilespmem:s1+$0x0]  }
0x41: {  	(v2sf) =	vpush v3, $0x0;
	_ =	sdelay $0x3  }
0x42: {  	vm2 =	veq.s32 v4, $0x3FF  }
0x43: {  	v3 =	vmpcnt.ones.xlane vm2;
	_ =	sdelay $0x1  }
0x44: {  	(v2sf) =	vpush v3, $0x0;
	_ =	sdelay $0x7  }
0x45: {  	s29 =	sadd.s32 $0x10, s2;
	s2 =	smov.u32 s15;
	s30 =	spop (v2sf)  }
0x46: {  	v3 =	vor.u32 s29, v0;
	s3 =	sadd.s32 s3, s30  }
0x47: {  	s1 =	sadd.s32 $0x20, s1;
	[tilespmem:s3+$0x900] =	vst.msk vm2, v3  }
.Ltmp2:
0x48: {  	v3 =	vld [tilespmem:s1+$0xFFFFFFF0];
	(pc) =	sbr.rel @p0 .LBB2_2-.Ltmp2, $2  }
0x49: {  	_ =	sdelay $0x2  }
0x4a: {  	s15 =	spop (v2sf)  }
0x4b: {  	vm2 =	veq.s32 v3, $0x3FF;
	s3 =	sadd.s32 s3, s15  }
0x4c: {  	[tilespmem:s3+$0x900] =	vst.msk vm2, v2  }
0x4d: {  	v2 =	vld [tilespmem:s1+$0x0];
	_ =	sdelay $0x4  }
0x4e: {  	v3 =	vmpcnt.ones.xlane vm2;
	vm2 =	veq.s32 v2, $0x3FF  }
0x4f: {  	v2 =	vmpcnt.ones.xlane vm2  }
0x50: {  	(v2sf) =	vpush v3, $0x0  }
0x51: {  	(v2sf) =	vpush v2, $0x0;
	_ =	sdelay $0xd  }
0x52: {  	s31 =	spop (v2sf)  }
0x53: {  	s2 =	sadd.s32 $0x10, s2;
	s1 =	sadd.s32 s3, s31;
	s15 =	spop (v2sf)  }
0x54: {  	v2 =	vor.u32 s2, v0;
	s2 =	sadd.s32 s1, s15  }
0x55: {  	[tilespmem:s1+$0x900] =	vst.msk vm2, v2;
	p0 =	slt.s32 s2, $0x1  }
0x56: {  	v2 =	vld @!p0 [tilespmem:$0x900];
	_ =	sdelay $0x4  }
0x57: {  	(v2sf) =	vpush @!p0 v2, $0x0;
	_ =	sdelay $0xe  }
0x58: {  	s1 =	spop @!p0 (v2sf)  }
0x59: {  	s3 =	sadd.s32 @!p0 s5, s1  }
0x5a: {  	s3 =	sshll.u32 @!p0 s3, $0xA  }
0x5b: {  	s1 =	sshll.u32 @!p0 s1, $0x7;
	s3 =	sand.u32 @!p0 $0xFFFFE000, s3  }
0x5c: {  	s1 =	sand.u32 @!p0 $0x380, s1;
	s3 =	sadd.s32 @!p0 s10, s3  }
0x5d: {  	s1 =	sor.u32 @!p0 s1, s3  }
0x5e: {  	s1 =	sshrl.u32 @!p0 s1, $0x3  }
0x5f: {  	s15 =	simm.s32 @!p0 $0xD80;
	s3 =	simm.s32 @!p0 $0x0;
	s1 =	sadd.s32 @!p0 s0, s1  }
0x60: {  	[tilespmem:s15], [sflag:$0x3] =	stream.linear.gather @!p0 [hbm4b:s1+s3], $0x80, $0x38;
	[tilespmem:$0x1800] =	vst v63  }
0x61: {  	s28 =	simm.s32 @!p0 $0xE80;
	s15 =	sadd.s32 @!p0 $0x80, s1  }
0x62: {  	[tilespmem:s28], [sflag:$0x3] =	stream.linear.gather @!p0 [hbm4b:s15+s3], $0x80, $0x38;
	[tilespmem:$0x1800] =	vst v63  }
0x63: {  	s15 =	sadd.s32 @!p0 $0x100, s1;
	s28 =	simm.s32 @!p0 $0xF80  }
0x64: {  	[tilespmem:s28], [sflag:$0x3] =	stream.linear.gather @!p0 [hbm4b:s15+s3], $0x80, $0x38;
	[tilespmem:$0x1800] =	vst v63  }
0x65: {  	s15 =	sadd.s32 @!p0 $0x180, s1;
	s28 =	simm.s32 @!p0 $0x1080  }
0x66: {  	[tilespmem:s28], [sflag:$0x3] =	stream.linear.gather @!p0 [hbm4b:s15+s3], $0x80, $0x38;
	[tilespmem:$0x1800] =	vst v63  }
0x67: {  	s15 =	sadd.s32 @!p0 $0x200, s1;
	s28 =	simm.s32 @!p0 $0x1180  }
0x68: {  	[tilespmem:s28], [sflag:$0x3] =	stream.linear.gather @!p0 [hbm4b:s15+s3], $0x80, $0x38;
	[tilespmem:$0x1800] =	vst v63  }
0x69: {  	s15 =	sadd.s32 @!p0 $0x280, s1;
	s28 =	simm.s32 @!p0 $0x1280  }
0x6a: {  	[tilespmem:s28], [sflag:$0x3] =	stream.linear.gather @!p0 [hbm4b:s15+s3], $0x80, $0x38;
	[tilespmem:$0x1800] =	vst v63  }
0x6b: {  	s15 =	sadd.s32 @!p0 $0x300, s1;
	s28 =	simm.s32 @!p0 $0x1380  }
0x6c: {  	[tilespmem:s28], [sflag:$0x3] =	stream.linear.gather @!p0 [hbm4b:s15+s3], $0x80, $0x38;
	[tilespmem:$0x1800] =	vst v63  }
0x6d: {  	s1 =	sadd.s32 @!p0 $0x380, s1;
	s15 =	simm.s32 @!p0 $0x1480  }
0x6e: {  	[tilespmem:s15], [sflag:$0x3] =	stream.linear.gather @!p0 [hbm4b:s1+s3], $0x80, $0x38;
	[tilespmem:$0x1800] =	vst v63  }
0x6f: {  	_ =	swait.ge [sflag:s20], $0x200  }
0x70: {  	[sflag:s20] =	ssyncset.done $0x0  }
0x71: {  	s16 =	simm.s32 $0x210;
	[sflag:s20] =	ssyncadd.s32 $0xFFFFFE00  }
0x72: {  	v2 =	vld [tilespmem:s16+$0xFFFFFFF0];
	_ =	sdelay $0x3  }
0x73: {  	s17 =	simm.s32 $0x200  }
0x74: {  	v3 =	vor.u32 s17, v0;
	vm2 =	veq.s32 v2, $0x3FF  }
0x75: {  	[tilespmem:s2+$0x900] =	vst.msk vm2, v3  }
0x76: {  	v3 =	vmpcnt.ones.xlane vm2;
	v2 =	vld [tilespmem:s16+$0x0];
	_ =	sdelay $0x1  }
0x77: {  	(v2sf) =	vpush v3, $0x0;
	_ =	sdelay $0x2  }
0x78: {  	vm2 =	veq.s32 v2, $0x3FF  }
0x79: {  	v2 =	vmpcnt.ones.xlane vm2;
	_ =	sdelay $0x1  }
0x7a: {  	(v2sf) =	vpush v2, $0x0;
	_ =	sdelay $0x8  }
0x7b: {  	s30 =	simm.s32 $0x210;
	s31 =	spop (v2sf)  }
0x7c: {  	v2 =	vor.u32 s30, v0;
	s3 =	sadd.s32 s2, s31  }
0x7d: {  	s1 =	simm.s32 $0x230;
	[tilespmem:s3+$0x900] =	vst.msk vm2, v2  }
0x7e: {  	v3 =	vld [tilespmem:s1+$0xFFFFFFF0];
	_ =	sdelay $0x1  }
0x7f: {  	s28 =	simm.s32 $0x220  }
0x80: {  	s29 =	simm.s32 $0x240;
	v2 =	vor.u32 s28, v0;
	s15 =	spop (v2sf)  }
.LBB2_4:
0x81: {  	p0 =	sne.s32 s29, $0x3E0  }
0x82: {  	v4 =	vor.u32 s29, v0;
	vm2 =	veq.s32 v3, $0x3FF;
	s3 =	sadd.s32 s3, s15;
	s15 =	smov.u32 s29;
	s29 =	sadd.s32 $0x20, s29  }
0x83: {  	[tilespmem:s3+$0x900] =	vst.msk vm2, v2;
	v3 =	vmpcnt.ones.xlane vm2;
	v2 =	vmov v4  }
0x84: {  	v4 =	vld [tilespmem:s1+$0x0]  }
0x85: {  	(v2sf) =	vpush v3, $0x0;
	_ =	sdelay $0x3  }
0x86: {  	vm2 =	veq.s32 v4, $0x3FF  }
0x87: {  	v3 =	vmpcnt.ones.xlane vm2;
	_ =	sdelay $0x1  }
0x88: {  	(v2sf) =	vpush v3, $0x0;
	_ =	sdelay $0x7  }
0x89: {  	s30 =	sadd.s32 $0x10, s28;
	s28 =	smov.u32 s15;
	s31 =	spop (v2sf)  }
0x8a: {  	v3 =	vor.u32 s30, v0;
	s3 =	sadd.s32 s3, s31  }
0x8b: {  	s1 =	sadd.s32 $0x20, s1;
	[tilespmem:s3+$0x900] =	vst.msk vm2, v3  }
.Ltmp3:
0x8c: {  	v3 =	vld [tilespmem:s1+$0xFFFFFFF0];
	(pc) =	sbr.rel @p0 .LBB2_4-.Ltmp3, $2  }
0x8d: {  	_ =	sdelay $0x2  }
0x8e: {  	s15 =	spop (v2sf)  }
0x8f: {  	vm2 =	veq.s32 v3, $0x3FF;
	s3 =	sadd.s32 s3, s15  }
0x90: {  	[tilespmem:s3+$0x900] =	vst.msk vm2, v2  }
0x91: {  	v2 =	vld [tilespmem:s1+$0x0];
	_ =	sdelay $0x3  }
0x92: {  	v3 =	vmpcnt.ones.xlane vm2  }
0x93: {  	vm2 =	veq.s32 v2, $0x3FF  }
0x94: {  	(v2sf) =	vpush v3, $0x0;
	v2 =	vmpcnt.ones.xlane vm2;
	_ =	sdelay $0x1  }
0x95: {  	(v2sf) =	vpush v2, $0x0;
	_ =	sdelay $0xc  }
0x96: {  	s17 =	sadd.s32 $0x10, s28;
	s16 =	spop (v2sf)  }
0x97: {  	v2 =	vor.u32 s17, v0;
	s3 =	sadd.s32 s3, s16  }
0x98: {  	[tilespmem:s3+$0x900] =	vst.msk vm2, v2;
	s17 =	spop (v2sf)  }
0x99: {  	_ =	swait.ge [sflag:s21], $0x400  }
0x9a: {  	[sflag:s21] =	ssyncset.done $0x0  }
0x9b: {  	[sflag:s21] =	ssyncadd.s32 $0xFFFFFC00  }
0x9c: {  	p0 =	sne.s32 s2, $0x0;
	s28 =	sadd.s32 s3, s17;
	_ =	swait.ge [sflag:s22], $0x80  }
0x9d: {  	p1 =	slt.s32 @!p0 s28, $0x1;
	[sflag:s22] =	ssyncset.done $0x0  }
0x9e: {  	p0 =	por p1, p0;
	[sflag:s22] =	ssyncadd.s32 $0xFFFFFF80  }
0x9f: {  	v2 =	vld @!p0 [tilespmem:$0x900];
	_ =	sdelay $0x4  }
0xa0: {  	(v2sf) =	vpush @!p0 v2, $0x0;
	_ =	sdelay $0xe  }
0xa1: {  	s1 =	spop @!p0 (v2sf)  }
0xa2: {  	s2 =	sadd.s32 @!p0 s5, s1  }
0xa3: {  	s2 =	sshll.u32 @!p0 s2, $0xA  }
0xa4: {  	s1 =	sshll.u32 @!p0 s1, $0x7;
	s2 =	sand.u32 @!p0 $0xFFFFE000, s2  }
0xa5: {  	s1 =	sand.u32 @!p0 $0x380, s1;
	s2 =	sadd.s32 @!p0 s10, s2  }
0xa6: {  	s1 =	sor.u32 @!p0 s1, s2  }
0xa7: {  	s1 =	sshrl.u32 @!p0 s1, $0x3  }
0xa8: {  	s3 =	simm.s32 @!p0 $0xD80;
	s2 =	simm.s32 @!p0 $0x0;
	s1 =	sadd.s32 @!p0 s0, s1  }
0xa9: {  	[tilespmem:s3], [sflag:$0x3] =	stream.linear.gather @!p0 [hbm4b:s1+s2], $0x80, $0x38;
	[tilespmem:$0x1800] =	vst v63  }
0xaa: {  	s15 =	simm.s32 @!p0 $0xE80;
	s3 =	sadd.s32 @!p0 $0x80, s1  }
0xab: {  	[tilespmem:s15], [sflag:$0x3] =	stream.linear.gather @!p0 [hbm4b:s3+s2], $0x80, $0x38;
	[tilespmem:$0x1800] =	vst v63  }
0xac: {  	s3 =	sadd.s32 @!p0 $0x100, s1;
	s15 =	simm.s32 @!p0 $0xF80  }
0xad: {  	[tilespmem:s15], [sflag:$0x3] =	stream.linear.gather @!p0 [hbm4b:s3+s2], $0x80, $0x38;
	[tilespmem:$0x1800] =	vst v63  }
0xae: {  	s3 =	sadd.s32 @!p0 $0x180, s1;
	s15 =	simm.s32 @!p0 $0x1080  }
0xaf: {  	[tilespmem:s15], [sflag:$0x3] =	stream.linear.gather @!p0 [hbm4b:s3+s2], $0x80, $0x38;
	[tilespmem:$0x1800] =	vst v63  }
0xb0: {  	s3 =	sadd.s32 @!p0 $0x200, s1;
	s15 =	simm.s32 @!p0 $0x1180  }
0xb1: {  	[tilespmem:s15], [sflag:$0x3] =	stream.linear.gather @!p0 [hbm4b:s3+s2], $0x80, $0x38;
	[tilespmem:$0x1800] =	vst v63  }
0xb2: {  	s3 =	sadd.s32 @!p0 $0x280, s1;
	s15 =	simm.s32 @!p0 $0x1280  }
0xb3: {  	[tilespmem:s15], [sflag:$0x3] =	stream.linear.gather @!p0 [hbm4b:s3+s2], $0x80, $0x38;
	[tilespmem:$0x1800] =	vst v63  }
0xb4: {  	s3 =	sadd.s32 @!p0 $0x300, s1;
	s15 =	simm.s32 @!p0 $0x1380  }
0xb5: {  	[tilespmem:s15], [sflag:$0x3] =	stream.linear.gather @!p0 [hbm4b:s3+s2], $0x80, $0x38;
	[tilespmem:$0x1800] =	vst v63  }
0xb6: {  	s1 =	sadd.s32 @!p0 $0x380, s1;
	s3 =	simm.s32 @!p0 $0x1480  }
0xb7: {  	[tilespmem:s3], [sflag:$0x3] =	stream.linear.gather @!p0 [hbm4b:s1+s2], $0x80, $0x38;
	[tilespmem:$0x1800] =	vst v63  }
0xb8: {  	s1 =	sadd.s32 $0x1, s28;
	p0 =	slt.u32 s28, $0x7FFFFFFF;
	s2 =	simm.s32 $0x1  }
0xb9: {  	s2 =	simm.s32 @!p0 $0x0;
	s15 =	sshra.s32 s1, $0x1F  }
0xba: {  	s16 =	sand.u32 $0x1, s1;
	s2 =	sadd.s32 s2, s15  }
0xbb: {  	p6 =	seq.s32 s16, $0x1;
	p5 =	sne.s32 s2, $0x1  }
0xbc: {  	s17 =	sshrl.u32 s1, $0x1F;
	p0 =	por !p5, !p6  }
0xbd: {  	s1 =	sadd.s32 s17, s1;
	s2 =	simm.s32 $0x1;
	p0 =	por !p0, !p0  }
0xbe: {  	s1 =	sshra.s32 s1, $0x1;
	s2 =	simm.s32 @!p0 $0x0  }
0xbf: {  	s29 =	ssub.s32 s1, s2  }
0xc0: {  	p0 =	slt.s32 s29, $0x1  }
.Ltmp4:
0xc1: {  	_ = 	snop;
	(pc) =	sbr.rel @!p0 .LBB2_7-.Ltmp4, $2  }
0xc2: {  	_ =	sdelay $0x2  }
0xc3: {  	s30 =	simm.s32 $0x0;
	s31 =	simm.s32 $0x0;
	v3 =	vimm.f32 $0.0e+00;
	v2 =	vimm.f32 $0.0e+00  }
.Ltmp5:
0xc4: {  	(pc) =	sbr.rel .LBB2_14-.Ltmp5, $2  }
0xc5: {  	_ =	sdelay $0x2  }
0xc6: {  	v2 =	vimm.f32 $0.0e+00  }
.LBB2_13:
0xc7: {  	s31 =	sadd.s32 $0x1, s31  }
0xc8: {  	p0 =	sne.s32 s31, s29  }
.Ltmp6:
0xc9: {  	_ = 	snop;
	(pc) =	sbr.rel @!p0 .LBB2_14-.Ltmp6, $1  }
0xca: {  	_ =	sdelay $0x3  }
.LBB2_7:
0xcb: {  	_ =	swait.ge [sflag:s23], $0x400  }
0xcc: {  	s1 =	sshllo.u32 s31, $0x1;
	[sflag:s23] =	ssyncset.done $0x0  }
0xcd: {  	s2 =	sshll.u32 s31, $0x1;
	p0 =	sge.s32 s1, s28;
	[sflag:s23] =	ssyncadd.s32 $0xFFFFFC00  }
0xce: {  	v4 =	vld @!p0 [tilespmem:s2+$0x901];
	_ =	sdelay $0x4  }
0xcf: {  	(v2sf) =	vpush @!p0 v4, $0x0;
	_ =	sdelay $0xe  }
0xd0: {  	s1 =	spop @!p0 (v2sf)  }
0xd1: {  	s3 =	sadd.s32 @!p0 s5, s1  }
0xd2: {  	s3 =	sshll.u32 @!p0 s3, $0xA  }
0xd3: {  	s1 =	sshll.u32 @!p0 s1, $0x7;
	s3 =	sand.u32 @!p0 $0xFFFFE000, s3  }
0xd4: {  	s1 =	sand.u32 @!p0 $0x380, s1;
	s3 =	sadd.s32 @!p0 s10, s3  }
0xd5: {  	s1 =	sor.u32 @!p0 s1, s3  }
0xd6: {  	s1 =	sshrl.u32 @!p0 s1, $0x3  }
0xd7: {  	s15 =	simm.s32 @!p0 $0xE00;
	s3 =	simm.s32 @!p0 $0x0;
	s1 =	sadd.s32 @!p0 s0, s1  }
0xd8: {  	[tilespmem:s15], [sflag:$0x4] =	stream.linear.gather @!p0 [hbm4b:s1+s3], $0x80, $0x38;
	[tilespmem:$0x1800] =	vst v63  }
0xd9: {  	s16 =	simm.s32 @!p0 $0xF00;
	s15 =	sadd.s32 @!p0 $0x80, s1  }
0xda: {  	[tilespmem:s16], [sflag:$0x4] =	stream.linear.gather @!p0 [hbm4b:s15+s3], $0x80, $0x38;
	[tilespmem:$0x1800] =	vst v63  }
0xdb: {  	s15 =	sadd.s32 @!p0 $0x100, s1;
	s16 =	simm.s32 @!p0 $0x1000  }
0xdc: {  	[tilespmem:s16], [sflag:$0x4] =	stream.linear.gather @!p0 [hbm4b:s15+s3], $0x80, $0x38;
	[tilespmem:$0x1800] =	vst v63  }
0xdd: {  	s15 =	sadd.s32 @!p0 $0x180, s1;
	s16 =	simm.s32 @!p0 $0x1100  }
0xde: {  	[tilespmem:s16], [sflag:$0x4] =	stream.linear.gather @!p0 [hbm4b:s15+s3], $0x80, $0x38;
	[tilespmem:$0x1800] =	vst v63  }
0xdf: {  	s15 =	sadd.s32 @!p0 $0x200, s1;
	s16 =	simm.s32 @!p0 $0x1200  }
0xe0: {  	[tilespmem:s16], [sflag:$0x4] =	stream.linear.gather @!p0 [hbm4b:s15+s3], $0x80, $0x38;
	[tilespmem:$0x1800] =	vst v63  }
0xe1: {  	s15 =	sadd.s32 @!p0 $0x280, s1;
	s16 =	simm.s32 @!p0 $0x1300  }
0xe2: {  	[tilespmem:s16], [sflag:$0x4] =	stream.linear.gather @!p0 [hbm4b:s15+s3], $0x80, $0x38;
	[tilespmem:$0x1800] =	vst v63  }
0xe3: {  	s15 =	sadd.s32 @!p0 $0x300, s1;
	s16 =	simm.s32 @!p0 $0x1400  }
0xe4: {  	[tilespmem:s16], [sflag:$0x4] =	stream.linear.gather @!p0 [hbm4b:s15+s3], $0x80, $0x38;
	[tilespmem:$0x1800] =	vst v63  }
0xe5: {  	s1 =	sadd.s32 @!p0 $0x380, s1;
	s15 =	simm.s32 @!p0 $0x1500  }
0xe6: {  	[tilespmem:s15], [sflag:$0x4] =	stream.linear.gather @!p0 [hbm4b:s1+s3], $0x80, $0x38;
	[tilespmem:$0x1800] =	vst v63  }
0xe7: {  	v4 =	vld [tilespmem:s2+$0x900];
	_ =	sdelay $0x4  }
0xe8: {  	(v2sf) =	vpush v4, $0x0;
	_ =	sdelay $0xe  }
0xe9: {  	s15 =	spop (v2sf)  }
0xea: {  	v4 =	vld [tilespmem:s15+$0x480];
	_ =	sdelay $0x4  }
0xeb: {  	(v2sf) =	vpush v4, $0x0;
	_ =	sdelay $0x4  }
0xec: {  	s17 =	sand.u32 $0x700, s30;
	s16 =	sand.u32 $0x40, s30  }
0xed: {  	s1 =	sor.u32 s16, s17  }
0xee: {  	v4 =	vld [tilespmem:s1+$0xDB0]  }
0xef: {  	s16 =	simm.s32 $0x80;
	v5 =	vld [tilespmem:s1+$0xD80];
	s15 =	simm.s32 $0x40  }
0xf0: {  	v6 =	vld [tilespmem:s1+$0xD90];
	s3 =	sand.u32 $0x40, s15;
	s15 =	sand.u32 $0x700, s16  }
0xf1: {  	v7 =	vld [tilespmem:s1+$0xDA0];
	s17 =	sor.u32 s3, s15  }
0xf2: {  	v8 =	vld [tilespmem:s17+$0xDB0]  }
0xf3: {  	v9 =	vld [tilespmem:s17+$0xD80];
	v4 =	vmul.f32 $1.442695020e+00, v4  }
0xf4: {  	v5 =	vmul.f32 $1.442695020e+00, v5  }
0xf5: {  	v6 =	vmul.f32 $1.442695020e+00, v6;
	(erf) = vpow2.f32 v4  }
0xf6: {  	v7 =	vmul.f32 $1.442695020e+00, v7;
	v10 =	vld [tilespmem:s17+$0xD90];
	(erf) = vpow2.f32 v5;
	s15 =	spop (v2sf)  }
0xf7: {  	v11 =	vld [tilespmem:s17+$0xDA0];
	s17 =	simm.s32 $0x80;
	v5 =	vmul.f32 $1.442695020e+00, v8;
	(erf) = vpow2.f32 v6;
	s3 =	sshll.u32 s15, $0x1  }
0xf8: {  	s1 =	simm.s32 $0x100;
	v6 =	vmul.f32 $1.442695020e+00, v9;
	(erf) = vpow2.f32 v7;
	s16 =	sand.u32 $0x7F, s15;
	s3 =	sand.u32 $0xFFFFFF00, s3  }
0xf9: {  	(erf) = vpow2.f32 v5;
	s3 =	sor.u32 s16, s3;
	s16 =	sand.u32 $0x40, s17;
	s17 =	sand.u32 $0x700, s1  }
0xfa: {  	(erf) = vpow2.f32 v6;
	v4 =	vld [tilespmem:s3+$0xD80];
	s3 =	sor.u32 s16, s17  }
0xfb: {  	v9 =	vld [tilespmem:s3+$0xDB0]  }
0xfc: {  	v12 =	vmul.f32 $1.442695020e+00, v10;
	v13 =	vmul.f32 $1.442695020e+00, v11;
	v8 =	vimm.f32 $0.0e+00;
	v10 =	vld [tilespmem:s3+$0xD80]  }
0xfd: {  	v7 =	vimm.f32 $0.0e+00;
	v5 =	vimm.f32 $0.0e+00;
	v6 =	vimm.f32 $0.0e+00;
	s15 =	simm.s32 $0xC0;
	v11 =	vld [tilespmem:s3+$0xD90]  }
.LBB2_8:
0xfe: {  	s16 =	sand.u32 $0x40, s15;
	v14 =	vld [tilespmem:s3+$0xDA0];
	s1 =	sadd.s32 $0x80, s1;
	(erf) = vpow2.f32 v12;
	p1 =	sne.s32 s15, $0x3C0  }
.Ltmp7:
0xff: {  	s15 =	sadd.s32 $0x40, s15;
	s3 =	sand.u32 $0x700, s1;
	(erf) = vpow2.f32 v13;
	v12 =	vpop (erf);
	(pc) =	sbr.rel @p1 .LBB2_8-.Ltmp7, $4  }
0x100: {  	s3 =	sor.u32 s16, s3;
	v13 =	vmul.f32 $1.442695020e+00, v9;
	v5 =	vadd.f32 v12, v5;
	v12 =	vpop (erf)  }
0x101: {  	v9 =	vld [tilespmem:s3+$0xDB0];
	v15 =	vmul.f32 $1.442695020e+00, v10;
	v8 =	vadd.f32 v12, v8;
	v16 =	vpop (erf)  }
0x102: {  	v10 =	vld [tilespmem:s3+$0xD80];
	v12 =	vmul.f32 $1.442695020e+00, v11;
	(erf) = vpow2.f32 v13;
	v6 =	vadd.f32 v16, v6;
	v16 =	vpop (erf)  }
0x103: {  	v11 =	vld [tilespmem:s3+$0xD90];
	v13 =	vmul.f32 $1.442695020e+00, v14;
	(erf) = vpow2.f32 v15;
	v7 =	vadd.f32 v16, v7  }
0x104: {  	v14 =	vld [tilespmem:s3+$0xDA0];
	_ =	sdelay $0x1  }
0x105: {  	(erf) = vpow2.f32 v12;
	v9 =	vmul.f32 $1.442695020e+00, v9  }
0x106: {  	(erf) = vpow2.f32 v13;
	v10 =	vmul.f32 $1.442695020e+00, v10  }
0x107: {  	v11 =	vmul.f32 $1.442695020e+00, v11;
	(erf) = vpow2.f32 v9  }
0x108: {  	v51 =	vpop (erf);
	v53 =	vld [tilespmem:$0x14F0];
	v52 =	vmul.f32 $1.442695020e+00, v14;
	(erf) = vpow2.f32 v10  }
0x109: {  	v54 =	vpop (erf);
	(erf) = vpow2.f32 v11  }
0x10a: {  	v55 =	vpop (erf);
	(erf) = vpow2.f32 v52  }
0x10b: {  	v56 =	vpop (erf)  }
0x10c: {  	v57 =	vpop (erf)  }
0x10d: {  	v10 =	vmul.f32 $1.442695020e+00, v53;
	v15 =	vpop (erf)  }
0x10e: {  	v16 =	vpop (erf)  }
0x10f: {  	v5 =	vadd.f32 v51, v5;
	v8 =	vadd.f32 v54, v8;
	(erf) = vpow2.f32 v10;
	v58 =	vpop (erf)  }
0x110: {  	v6 =	vadd.f32 v55, v6;
	v7 =	vadd.f32 v56, v7;
	v59 =	vpop (erf)  }
0x111: {  	v5 =	vadd.f32 v57, v5;
	v8 =	vadd.f32 v15, v8;
	v60 =	vpop (erf)  }
0x112: {  	v6 =	vadd.f32 v16, v6;
	v7 =	vadd.f32 v58, v7;
	v61 =	vpop (erf)  }
0x113: {  	v5 =	vadd.f32 v59, v5;
	v8 =	vadd.f32 v60, v8;
	v62 =	vpop (erf)  }
0x114: {  	v6 =	vadd.f32 v61, v6;
	v7 =	vadd.f32 v62, v7;
	_ =	sdelay $0x1  }
0x115: {  	v6 =	vadd.f32 v6, v8;
	v5 =	vadd.f32 v5, v7;
	_ =	sdelay $0x1  }
.Ltmp8:
0x116: {  	v63 =	vpop (erf);
	v5 =	vadd.f32 v5, v6;
	(pc) =	sbr.rel @p0 .LBB2_13-.Ltmp8, $3  }
0x117: {  	v6 =	vsel vm0, $0x0, v63  }
0x118: {  	v4 =	vbroadcast v4, $0x0;
	v5 =	vsub.f32 v5, v6;
	_ =	sdelay $0x1  }
0x119: {  	v3 =	vadd.f32 v4, v3;
	v2 =	vadd.f32 v5, v2  }
0x11a: {  	_ =	swait.ge [sflag:s22], $0x400  }
0x11b: {  	s1 =	sadd.s32 $0x2, s2;
	[sflag:s22] =	ssyncset.done $0x0  }
0x11c: {  	p0 =	sge.s32 s1, s28;
	[sflag:s22] =	ssyncadd.s32 $0xFFFFFC00  }
0x11d: {  	v4 =	vld @!p0 [tilespmem:s1+$0x900];
	_ =	sdelay $0x4  }
0x11e: {  	(v2sf) =	vpush @!p0 v4, $0x0;
	_ =	sdelay $0xe  }
0x11f: {  	s1 =	spop @!p0 (v2sf)  }
0x120: {  	s3 =	sadd.s32 @!p0 s5, s1  }
0x121: {  	s3 =	sshll.u32 @!p0 s3, $0xA  }
0x122: {  	s1 =	sshll.u32 @!p0 s1, $0x7;
	s3 =	sand.u32 @!p0 $0xFFFFE000, s3  }
0x123: {  	s1 =	sand.u32 @!p0 $0x380, s1;
	s3 =	sadd.s32 @!p0 s10, s3  }
0x124: {  	s1 =	sor.u32 @!p0 s1, s3  }
0x125: {  	s1 =	sshrl.u32 @!p0 s1, $0x3  }
0x126: {  	s15 =	simm.s32 @!p0 $0xD80;
	s3 =	simm.s32 @!p0 $0x0;
	s1 =	sadd.s32 @!p0 s0, s1  }
0x127: {  	[tilespmem:s15], [sflag:$0x3] =	stream.linear.gather @!p0 [hbm4b:s1+s3], $0x80, $0x38;
	[tilespmem:$0x1800] =	vst v63  }
0x128: {  	s16 =	simm.s32 @!p0 $0xE80;
	s15 =	sadd.s32 @!p0 $0x80, s1  }
0x129: {  	[tilespmem:s16], [sflag:$0x3] =	stream.linear.gather @!p0 [hbm4b:s15+s3], $0x80, $0x38;
	[tilespmem:$0x1800] =	vst v63  }
0x12a: {  	s15 =	sadd.s32 @!p0 $0x100, s1;
	s16 =	simm.s32 @!p0 $0xF80  }
0x12b: {  	[tilespmem:s16], [sflag:$0x3] =	stream.linear.gather @!p0 [hbm4b:s15+s3], $0x80, $0x38;
	[tilespmem:$0x1800] =	vst v63  }
0x12c: {  	s15 =	sadd.s32 @!p0 $0x180, s1;
	s16 =	simm.s32 @!p0 $0x1080  }
0x12d: {  	[tilespmem:s16], [sflag:$0x3] =	stream.linear.gather @!p0 [hbm4b:s15+s3], $0x80, $0x38;
	[tilespmem:$0x1800] =	vst v63  }
0x12e: {  	s15 =	sadd.s32 @!p0 $0x200, s1;
	s16 =	simm.s32 @!p0 $0x1180  }
0x12f: {  	[tilespmem:s16], [sflag:$0x3] =	stream.linear.gather @!p0 [hbm4b:s15+s3], $0x80, $0x38;
	[tilespmem:$0x1800] =	vst v63  }
0x130: {  	s15 =	sadd.s32 @!p0 $0x280, s1;
	s16 =	simm.s32 @!p0 $0x1280  }
0x131: {  	[tilespmem:s16], [sflag:$0x3] =	stream.linear.gather @!p0 [hbm4b:s15+s3], $0x80, $0x38;
	[tilespmem:$0x1800] =	vst v63  }
0x132: {  	s15 =	sadd.s32 @!p0 $0x300, s1;
	s16 =	simm.s32 @!p0 $0x1380  }
0x133: {  	[tilespmem:s16], [sflag:$0x3] =	stream.linear.gather @!p0 [hbm4b:s15+s3], $0x80, $0x38;
	[tilespmem:$0x1800] =	vst v63  }
0x134: {  	s1 =	sadd.s32 @!p0 $0x380, s1;
	s15 =	simm.s32 @!p0 $0x1480  }
0x135: {  	[tilespmem:s15], [sflag:$0x3] =	stream.linear.gather @!p0 [hbm4b:s1+s3], $0x80, $0x38;
	[tilespmem:$0x1800] =	vst v63  }
0x136: {  	v4 =	vld [tilespmem:s2+$0x901];
	_ =	sdelay $0x4  }
0x137: {  	(v2sf) =	vpush v4, $0x0;
	_ =	sdelay $0xe  }
0x138: {  	s3 =	spop (v2sf)  }
0x139: {  	v4 =	vld [tilespmem:s3+$0x480];
	_ =	sdelay $0x1  }
0x13a: {  	p0 =	por $0x0, $0x0;
	s1 =	simm.s32 $0x1  }
0x13b: {  	s1 =	simm.s32 @!p0 $0x0  }
0x13c: {  	s1 =	sshll.u32 s1, $0x6  }
0x13d: {  	s1 =	sadd.s32 $0x0, s1;
	(v2sf) =	vpush v4, $0x0  }
0x13e: {  	s15 =	sor.u32 $0xB0, s1  }
0x13f: {  	s16 =	sor.u32 $0x80, s1;
	v4 =	vld [tilespmem:s15+$0xD80]  }
0x140: {  	p0 =	por !p0, !p0;
	s17 =	sor.u32 $0x90, s1;
	v5 =	vld [tilespmem:s16+$0xD80];
	s3 =	simm.s32 $0x1  }
0x141: {  	v6 =	vld [tilespmem:s17+$0xD80];
	s3 =	simm.s32 @!p0 $0x0  }
0x142: {  	s1 =	sor.u32 $0xA0, s1;
	s2 =	sshll.u32 s3, $0x6  }
0x143: {  	v7 =	vld [tilespmem:s1+$0xD80];
	s1 =	sadd.s32 $0x80, s2  }
0x144: {  	s3 =	sor.u32 $0xB0, s1;
	v4 =	vmul.f32 $1.442695020e+00, v4  }
0x145: {  	v5 =	vmul.f32 $1.442695020e+00, v5;
	p0 =	por !p0, !p0;
	s2 =	simm.s32 $0x1;
	s15 =	sor.u32 $0x80, s1;
	v8 =	vld [tilespmem:s3+$0xD80]  }
0x146: {  	v6 =	vmul.f32 $1.442695020e+00, v6;
	s16 =	sor.u32 $0x90, s1;
	s2 =	simm.s32 @!p0 $0x0;
	(erf) = vpow2.f32 v4;
	v4 =	vld [tilespmem:s15+$0xD80]  }
0x147: {  	s1 =	sor.u32 $0xA0, s1;
	s2 =	sshll.u32 s2, $0x6;
	(erf) = vpow2.f32 v5;
	v5 =	vld [tilespmem:s16+$0xD80]  }
0x148: {  	v7 =	vmul.f32 $1.442695020e+00, v7;
	(erf) = vpow2.f32 v6;
	v6 =	vld [tilespmem:s1+$0xD80];
	s1 =	sadd.s32 $0x100, s2  }
0x149: {  	s17 =	sor.u32 $0xB0, s1  }
0x14a: {  	(erf) = vpow2.f32 v7;
	v7 =	vmul.f32 $1.442695020e+00, v8;
	v8 =	vld [tilespmem:s17+$0xD80]  }
0x14b: {  	s16 =	sor.u32 $0x80, s1  }
0x14c: {  	s17 =	sor.u32 $0x90, s1;
	v11 =	vld [tilespmem:s16+$0xD80];
	v4 =	vmul.f32 $1.442695020e+00, v4;
	s2 =	spop (v2sf)  }
0x14d: {  	p0 =	por !p0, !p0;
	s16 =	simm.s32 $0x1;
	(erf) = vpow2.f32 v7;
	v12 =	vld [tilespmem:s17+$0xD80];
	v5 =	vmul.f32 $1.442695020e+00, v5;
	s15 =	sshll.u32 s2, $0x1  }
0x14e: {  	s16 =	simm.s32 @!p0 $0x0;
	v6 =	vmul.f32 $1.442695020e+00, v6;
	(erf) = vpow2.f32 v4;
	s2 =	sand.u32 $0x7F, s2;
	s15 =	sand.u32 $0xFFFFFF00, s15  }
0x14f: {  	s1 =	sor.u32 $0xA0, s1;
	(erf) = vpow2.f32 v5;
	v8 =	vmul.f32 $1.442695020e+00, v8;
	s2 =	sor.u32 s2, s15;
	s15 =	sshll.u32 s16, $0x6  }
0x150: {  	v9 =	vld [tilespmem:s1+$0xD80];
	v7 =	vpop (erf);
	(erf) = vpow2.f32 v6;
	s16 =	sadd.s32 $0x180, s15  }
0x151: {  	v5 =	vimm.f32 $0.0e+00;
	v13 =	vmul.f32 $1.442695020e+00, v11;
	v14 =	vpop (erf);
	(erf) = vpow2.f32 v8;
	v4 =	vld [tilespmem:s2+$0xE00];
	s3 =	sor.u32 $0xB0, s16  }
0x152: {  	s1 =	simm.s32 $0x100;
	p0 =	por !p0, !p0;
	v6 =	vadd.f32 v7, v5;
	v7 =	vadd.f32 v14, v5;
	v15 =	vpop (erf);
	v14 =	vmul.f32 $1.442695020e+00, v12;
	s17 =	sor.u32 $0x80, s16;
	v10 =	vld [tilespmem:s3+$0xD80]  }
0x153: {  	s2 =	simm.s32 $0x180;
	v8 =	vadd.f32 v15, v5;
	v12 =	vpop (erf);
	s15 =	sor.u32 $0xA0, s16;
	s3 =	sor.u32 $0x90, s16;
	v11 =	vld [tilespmem:s17+$0xD80]  }
.LBB2_11:
0x154: {  	s16 =	simm.s32 $0x1  }
0x155: {  	p1 =	sne.s32 s1, $0x3C0;
	s1 =	sadd.s32 $0x40, s1;
	v15 =	vld [tilespmem:s3+$0xD80];
	v16 =	vmul.f32 $1.442695020e+00, v9;
	(erf) = vpow2.f32 v13;
	v5 =	vadd.f32 v12, v5;
	s16 =	simm.s32 @!p0 $0x0  }
.Ltmp9:
0x156: {  	s2 =	sadd.s32 $0x80, s2;
	s3 =	sshll.u32 s16, $0x6;
	v9 =	vld [tilespmem:s15+$0xD80];
	(erf) = vpow2.f32 v14;
	(pc) =	sbr.rel @p1 .LBB2_11-.Ltmp9, $4  }
0x157: {  	s15 =	sadd.s32 s3, s2;
	(erf) = vpow2.f32 v16;
	v12 =	vpop (erf)  }
0x158: {  	v16 =	vmul.f32 $1.442695020e+00, v10;
	s16 =	sor.u32 $0x80, s15;
	s3 =	sor.u32 $0x90, s15;
	s17 =	sor.u32 $0xB0, s15;
	v6 =	vadd.f32 v12, v6;
	v12 =	vpop (erf)  }
0x159: {  	s15 =	sor.u32 $0xA0, s15;
	v13 =	vmul.f32 $1.442695020e+00, v11;
	v10 =	vld [tilespmem:s17+$0xD80];
	v7 =	vadd.f32 v12, v7;
	v12 =	vpop (erf)  }
0x15a: {  	p0 =	por !p0, !p0;
	v14 =	vmul.f32 $1.442695020e+00, v15;
	v11 =	vld [tilespmem:s16+$0xD80];
	(erf) = vpow2.f32 v16;
	v8 =	vadd.f32 v12, v8;
	v12 =	vpop (erf)  }
0x15b: {  	v15 =	vld [tilespmem:s3+$0xD80]  }
0x15c: {  	v16 =	vld [tilespmem:s15+$0xD80]  }
0x15d: {  	v9 =	vmul.f32 $1.442695020e+00, v9;
	(erf) = vpow2.f32 v13  }
0x15e: {  	(erf) = vpow2.f32 v14;
	v10 =	vmul.f32 $1.442695020e+00, v10  }
0x15f: {  	(erf) = vpow2.f32 v9;
	v47 =	vmul.f32 $1.442695020e+00, v11  }
0x160: {  	v48 =	vmul.f32 $1.442695020e+00, v15;
	(erf) = vpow2.f32 v10  }
0x161: {  	v49 =	vpop (erf);
	v51 =	vld [tilespmem:$0x1570];
	v50 =	vmul.f32 $1.442695020e+00, v16;
	(erf) = vpow2.f32 v47  }
0x162: {  	v52 =	vpop (erf);
	(erf) = vpow2.f32 v48  }
0x163: {  	v53 =	vpop (erf);
	(erf) = vpow2.f32 v50  }
0x164: {  	v54 =	vpop (erf)  }
0x165: {  	v55 =	vpop (erf)  }
0x166: {  	v9 =	vmul.f32 $1.442695020e+00, v51;
	v56 =	vpop (erf)  }
0x167: {  	v5 =	vadd.f32 v12, v5;
	v57 =	vpop (erf)  }
0x168: {  	v6 =	vadd.f32 v49, v6;
	v7 =	vadd.f32 v52, v7;
	(erf) = vpow2.f32 v9;
	v58 =	vpop (erf)  }
0x169: {  	v8 =	vadd.f32 v53, v8;
	v5 =	vadd.f32 v54, v5;
	v59 =	vpop (erf)  }
0x16a: {  	v6 =	vadd.f32 v55, v6;
	v7 =	vadd.f32 v56, v7;
	v60 =	vpop (erf)  }
0x16b: {  	v8 =	vadd.f32 v57, v8;
	v5 =	vadd.f32 v58, v5;
	v61 =	vpop (erf)  }
0x16c: {  	v6 =	vadd.f32 v59, v6;
	v7 =	vadd.f32 v60, v7;
	v62 =	vpop (erf)  }
0x16d: {  	v8 =	vadd.f32 v61, v8;
	v5 =	vadd.f32 v62, v5;
	_ =	sdelay $0x1  }
0x16e: {  	v7 =	vadd.f32 v8, v7;
	v5 =	vadd.f32 v6, v5;
	_ =	sdelay $0x1  }
.Ltmp10:
0x16f: {  	v63 =	vpop (erf);
	v5 =	vadd.f32 v5, v7;
	(pc) =	sbr.rel .LBB2_13-.Ltmp10, $3  }
0x170: {  	v6 =	vsel vm0, $0x0, v63  }
0x171: {  	v4 =	vbroadcast v4, $0x0;
	v5 =	vsub.f32 v5, v6;
	_ =	sdelay $0x1  }
0x172: {  	v3 =	vadd.f32 v4, v3;
	v2 =	vadd.f32 v5, v2  }
.LBB2_15:
0x173: {  	_ =	sfence.sel $0x180000  }
0x174: {  	[bflag:$0x0] =	sbarrier.arrive $0xFFFF  }
0x175: {  	_ =	strace $0x90000047  }
0x176: {  	s0 =	stileid.u32;
	[bflag:$0x2] =	sbarrier.arrive $0xFFFF  }
0x177: {  	p0 =	sne.s32 s0, $0x0;
	s0 =	rddreg [dreg:$0x5]  }
0x178: {  	s0 =	sadd.s32 @!p0 $0x100000, s0  }
0x179: {  	[sflag:s0] =	ssyncadd.tile.s32 @!p0 $0x1;
	_ =	shalt  }
.Lfunc_end2:
_tile_overlayer_lowered:
.L_overlay_start_2:
0x17a: {  	(tag) =	ssettag $0x2  }
0x17b: {  	s0 =	rddreg [dreg:$0x0];
	s2 =	stileid.u32  }
0x17c: {  	s1 =	rddreg [dreg:$0x1];
	p0 =	sne.s32 s2, $0x0  }
0x17d: {  	s3 =	rddreg [dreg:$0x2];
	[bflag:$0x3] =	sbarrier.arrive $0xFFFF;
	s2 =	simm.s32 @!p0 $0x1C06  }
0x17e: {  	[timem:s3], [sflag:s2] =	dma.local @!p0 [hbm:s0], s1  }
0x17f: {  	s0 =	simm.s32 @!p0 $0x6  }
0x180: {  	_ =	swait.ge @!p0 [sflag:s0], s1  }
0x181: {  	s1 =	ssub.s32 @!p0 $0x0, s1;
	[sflag:s0] =	ssyncset.done @!p0 $0x0  }
0x182: {  	[sflag:s0] =	ssyncadd.s32 @!p0 s1  }
0x183: {  	[bflag:$0x3] =	sbarrier.arrive $0xFFFF  }
0x184: {  	_ =	shalt  }

</sc_bundles>
